<compile_context>
chip_gen: v7x
topology: tpu7x:2x2x1
jax: 0.10.2.dev20260603
libtpu: 0.0.44.dev20260713+nightly
codegen_flags: <defaults>
</compile_context>

<pallas_src>
import functools

import jax
import jax.numpy as jnp
from jax import lax
from jax.experimental import pallas as pl
from jax.experimental.pallas import tpu as pltpu
from jax.experimental.pallas import tpu_sc as plsc

D_MODEL_ = 1024
N_ROWS_ = 32768
NUM_CORES_ = 2
NUM_SUBCORES_ = 16
NUM_WORKERS_ = NUM_CORES_ * NUM_SUBCORES_
ROWS_PER_W_ = N_ROWS_ // NUM_WORKERS_
LANES_ = 16
NGROUPS_ = ROWS_PER_W_ // LANES_


def _make_sc_embed():
    mesh = plsc.VectorSubcoreMesh(core_axis_name="c", subcore_axis_name="s")

    @functools.partial(
        pl.kernel,
        out_type=jax.ShapeDtypeStruct((N_ROWS_, D_MODEL_), jnp.float32),
        mesh=mesh,
        scratch_types=[
            pltpu.VMEM((ROWS_PER_W_,), jnp.int32),
            pltpu.VMEM((2, D_MODEL_), jnp.float32),
            pltpu.SemaphoreType.DMA,
        ],
    )
    def sc_embed(idx_hbm, table_hbm, out_hbm, idx_v, wv, sem):
        cid = lax.axis_index("c")
        sid = lax.axis_index("s")
        wid = sid * NUM_CORES_ + cid
        base = wid * ROWS_PER_W_

        pltpu.sync_copy(table_hbm, wv)
        pltpu.sync_copy(idx_hbm.at[pl.ds(base, ROWS_PER_W_)], idx_v)

        def group_body(g, _):
            th = idx_v[pl.ds(g * LANES_, LANES_)]
            row0 = base + g * LANES_
            for u in range(LANES_):
                t = jnp.clip(th[u], 0, 1)
                pltpu.async_copy(wv.at[t], out_hbm.at[row0 + u], sem)
            return 0

        lax.fori_loop(0, NGROUPS_, group_body, 0)

        pltpu.make_async_copy(
            out_hbm.at[pl.ds(0, ROWS_PER_W_)],
            out_hbm.at[pl.ds(base, ROWS_PER_W_)],
            sem).wait()

    return sc_embed


_sc_embed = _make_sc_embed()


def kernel(token_types, table):
    b, s = token_types.shape
    idx = token_types.reshape(b * s).astype(jnp.int32)
    out = _sc_embed(idx, table)
    return out.reshape(b, s, D_MODEL_)

# --- scband reference (transcript-rebuilt; emitter-appended) ---
"""Pipeline reference for scband-type-embedding-52871047414228 (READ-ONLY COPY).

The authoritative reference and input builder live on the scoring server;
editing this copy changes nothing except your own understanding.
"""

import jax, jax.numpy as jnp
import numpy as np

D_MODEL = 1024
NUM_TYPES = 2

def setup_inputs(seed: int = 0) -> dict:
    key = jax.random.key(seed)
    k1, k2 = jax.random.split(key)
    token_types = jax.random.randint(k1, (4, 8192), 0, NUM_TYPES, dtype=jnp.int64)
    table = jax.random.normal(k2, (NUM_TYPES, D_MODEL), dtype=jnp.float32)
    return {"token_types": token_types, "table": table}

def reference(token_types, table):
    # nn.Embedding forward: gather rows of the table by index
    return jnp.take(table, token_types, axis=0)

if __name__ == "__main__":
    import jax
    _d = setup_inputs()
    print(jax.jit(kernel)(*tuple(_d.values())))

</pallas_src>

<mosaic_0001>
#map = affine_map<(d0, d1) -> (0)>
#map1 = affine_map<(d0, d1) -> (0, 0)>
module attributes {stable_mosaic.version = 14 : i64} {
  func.func @sc_embed(%arg0: i32, %arg1: i32, %arg2: memref<32768xi32, #tpu.memory_space<hbm>>, %arg3: memref<2x1024xf32, #tpu.memory_space<hbm>>, %arg4: memref<32768x1024xf32, #tpu.memory_space<hbm>>, %arg5: memref<1024xi32, #tpu.memory_space<vmem>>, %arg6: memref<2x1024xf32, #tpu.memory_space<vmem>>, %arg7: memref<!tpu.dma_semaphore, #tpu.memory_space<semaphore_mem>>) attributes {dimension_semantics = [#tpu.dimension_semantics<core_parallel>, #tpu.dimension_semantics<subcore_parallel>], iteration_bounds = array<i64: 2, 16>, scalar_prefetch = 0 : i64, scratch_operands = 3 : i64, tpu.core_type = #tpu.core_type<sc_vector_subcore>, window_params = [{transform_indices = #map}, {transform_indices = #map1}, {transform_indices = #map1}]} {
    %mul3A = arith.constant 2 : i32
    %mul3A_0 = arith.muli %arg1, %mul3A : i32
    %add3A = arith.addi %mul3A_0, %arg0 : i32
    %mul3A_1 = arith.constant 1024 : i32
    %mul3A_2 = arith.muli %add3A, %mul3A_1 : i32
    "tpu.region"() ({
      %run_scoped3A = tpu.sem_alloc : memref<!tpu.dma_semaphore, #tpu.memory_space<semaphore_mem>>
      tpu.enqueue_dma source(%arg3 : memref<2x1024xf32, #tpu.memory_space<hbm>>) target(%arg6 : memref<2x1024xf32, #tpu.memory_space<vmem>>) target_semaphore(%run_scoped3A : memref<!tpu.dma_semaphore, #tpu.memory_space<semaphore_mem>>)
      tpu.wait_dma2 semaphore(%run_scoped3A : memref<!tpu.dma_semaphore, #tpu.memory_space<semaphore_mem>>) src(%arg3 : memref<2x1024xf32, #tpu.memory_space<hbm>>) dst(%arg6 : memref<2x1024xf32, #tpu.memory_space<vmem>>)
      tpu.yield
    }) : () -> ()
    "tpu.region"() ({
      %run_scoped3A = tpu.sem_alloc : memref<!tpu.dma_semaphore, #tpu.memory_space<semaphore_mem>>
      %dma_start3A = tpu.memref_slice %arg2[%mul3A_2] : memref<32768xi32, #tpu.memory_space<hbm>> -> memref<1024xi32, #tpu.memory_space<hbm>>
      %dma_start3A_13 = tpu.memref_slice %arg2[%mul3A_2] : memref<32768xi32, #tpu.memory_space<hbm>> -> memref<1024xi32, #tpu.memory_space<hbm>>
      tpu.enqueue_dma source(%dma_start3A_13 : memref<1024xi32, #tpu.memory_space<hbm>>) target(%arg5 : memref<1024xi32, #tpu.memory_space<vmem>>) target_semaphore(%run_scoped3A : memref<!tpu.dma_semaphore, #tpu.memory_space<semaphore_mem>>)
      %dma_wait3A_14 = tpu.memref_slice %arg2[%mul3A_2] : memref<32768xi32, #tpu.memory_space<hbm>> -> memref<1024xi32, #tpu.memory_space<hbm>>
      %dma_wait3A_15 = tpu.memref_slice %arg2[%mul3A_2] : memref<32768xi32, #tpu.memory_space<hbm>> -> memref<1024xi32, #tpu.memory_space<hbm>>
      tpu.wait_dma2 semaphore(%run_scoped3A : memref<!tpu.dma_semaphore, #tpu.memory_space<semaphore_mem>>) src(%dma_wait3A_15 : memref<1024xi32, #tpu.memory_space<hbm>>) dst(%arg5 : memref<1024xi32, #tpu.memory_space<vmem>>)
      tpu.yield
    }) : () -> ()
    %scan3A = arith.constant 0 : i32
    %scan3A_3 = arith.constant 0 : i32
    %scan3A_4 = arith.constant 64 : i32
    %scan3A_5 = arith.addi %scan3A_3, %scan3A_4 : i32
    %scan3A_6 = arith.constant 1 : i32
    %scan3A_7 = scf.for %scan3A_13 = %scan3A_3 to %scan3A_5 step %scan3A_6 iter_args(%scan3A_14 = %scan3A) -> (i32)  : i32 {
      %mul3A_15 = arith.constant 16 : i32
      %mul3A_16 = arith.muli %scan3A_13, %mul3A_15 : i32
      %get3A = arith.index_cast %mul3A_16 : i32 to index
      %get3A_17 = tpu.vector_load %arg5[%get3A] {strides = array<i32>} : memref<1024xi32, #tpu.memory_space<vmem>>, vector<16xi32>,
      %get3A_18 = vector.shape_cast %get3A_17 : vector<16xi32> to vector<16xi32>
      %mul3A_19 = arith.constant 16 : i32
      %mul3A_20 = arith.muli %scan3A_13, %mul3A_19 : i32
      %add3A_21 = arith.addi %mul3A_2, %mul3A_20 : i32
      %slice3A = vector.extract_strided_slice %get3A_18 {offsets = [0], sizes = [1], strides = [1]} : vector<16xi32> to vector<1xi32>
      %squeeze3A = vector.extract %slice3A[0] : i32 from vector<1xi32>
      %jit3A = arith.constant 0 : i32
      %jit3A_22 = arith.constant 1 : i32
      %max3A = arith.maxsi %jit3A, %squeeze3A : i32
      %min3A = arith.minsi %jit3A_22, %max3A : i32
      %add3A_23 = arith.constant 0 : i32
      %add3A_24 = arith.addi %add3A_21, %add3A_23 : i32
      %dma_start3A = arith.constant 0 : i32
      %dma_start3A_25 = tpu.memref_slice %arg6[%min3A, %dma_start3A] : memref<2x1024xf32, #tpu.memory_space<vmem>> -> memref<1x1024xf32, #tpu.memory_space<vmem>>
      %dma_start3A_26 = tpu.memref_squeeze %dma_start3A_25 : memref<1x1024xf32, #tpu.memory_space<vmem>> -> memref<1024xf32, #tpu.memory_space<vmem>>
      %dma_start3A_27 = arith.constant 0 : i32
      %dma_start3A_28 = tpu.memref_slice %arg4[%add3A_24, %dma_start3A_27] : memref<32768x1024xf32, #tpu.memory_space<hbm>> -> memref<1x1024xf32, #tpu.memory_space<hbm>>
      %dma_start3A_29 = tpu.memref_squeeze %dma_start3A_28 : memref<1x1024xf32, #tpu.memory_space<hbm>> -> memref<1024xf32, #tpu.memory_space<hbm>>
      %dma_start3A_30 = arith.constant 0 : i32
      %dma_start3A_31 = tpu.memref_slice %arg4[%add3A_24, %dma_start3A_30] : memref<32768x1024xf32, #tpu.memory_space<hbm>> -> memref<1x1024xf32, #tpu.memory_space<hbm>>
      %dma_start3A_32 = tpu.memref_squeeze %dma_start3A_31 : memref<1x1024xf32, #tpu.memory_space<hbm>> -> memref<1024xf32, #tpu.memory_space<hbm>>
      %dma_start3A_33 = arith.constant 0 : i32
      %dma_start3A_34 = tpu.memref_slice %arg6[%min3A, %dma_start3A_33] : memref<2x1024xf32, #tpu.memory_space<vmem>> -> memref<1x1024xf32, #tpu.memory_space<vmem>>
      %dma_start3A_35 = tpu.memref_squeeze %dma_start3A_34 : memref<1x1024xf32, #tpu.memory_space<vmem>> -> memref<1024xf32, #tpu.memory_space<vmem>>
      tpu.enqueue_dma source(%dma_start3A_35 : memref<1024xf32, #tpu.memory_space<vmem>>) target(%dma_start3A_32 : memref<1024xf32, #tpu.memory_space<hbm>>) target_semaphore(%arg7 : memref<!tpu.dma_semaphore, #tpu.memory_space<semaphore_mem>>)
      %slice3A_36 = vector.extract_strided_slice %get3A_18 {offsets = [1], sizes = [1], strides = [1]} : vector<16xi32> to vector<1xi32>
      %squeeze3A_37 = vector.extract %slice3A_36[0] : i32 from vector<1xi32>
      %jit3A_38 = arith.constant 0 : i32
      %jit3A_39 = arith.constant 1 : i32
      %max3A_40 = arith.maxsi %jit3A_38, %squeeze3A_37 : i32
      %min3A_41 = arith.minsi %jit3A_39, %max3A_40 : i32
      %add3A_42 = arith.constant 1 : i32
      %add3A_43 = arith.addi %add3A_21, %add3A_42 : i32
      %dma_start3A_44 = arith.constant 0 : i32
      %dma_start3A_45 = tpu.memref_slice %arg6[%min3A_41, %dma_start3A_44] : memref<2x1024xf32, #tpu.memory_space<vmem>> -> memref<1x1024xf32, #tpu.memory_space<vmem>>
      %dma_start3A_46 = tpu.memref_squeeze %dma_start3A_45 : memref<1x1024xf32, #tpu.memory_space<vmem>> -> memref<1024xf32, #tpu.memory_space<vmem>>
      %dma_start3A_47 = arith.constant 0 : i32
      %dma_start3A_48 = tpu.memref_slice %arg4[%add3A_43, %dma_start3A_47] : memref<32768x1024xf32, #tpu.memory_space<hbm>> -> memref<1x1024xf32, #tpu.memory_space<hbm>>
      %dma_start3A_49 = tpu.memref_squeeze %dma_start3A_48 : memref<1x1024xf32, #tpu.memory_space<hbm>> -> memref<1024xf32, #tpu.memory_space<hbm>>
      %dma_start3A_50 = arith.constant 0 : i32
      %dma_start3A_51 = tpu.memref_slice %arg4[%add3A_43, %dma_start3A_50] : memref<32768x1024xf32, #tpu.memory_space<hbm>> -> memref<1x1024xf32, #tpu.memory_space<hbm>>
      %dma_start3A_52 = tpu.memref_squeeze %dma_start3A_51 : memref<1x1024xf32, #tpu.memory_space<hbm>> -> memref<1024xf32, #tpu.memory_space<hbm>>
      %dma_start3A_53 = arith.constant 0 : i32
      %dma_start3A_54 = tpu.memref_slice %arg6[%min3A_41, %dma_start3A_53] : memref<2x1024xf32, #tpu.memory_space<vmem>> -> memref<1x1024xf32, #tpu.memory_space<vmem>>
      %dma_start3A_55 = tpu.memref_squeeze %dma_start3A_54 : memref<1x1024xf32, #tpu.memory_space<vmem>> -> memref<1024xf32, #tpu.memory_space<vmem>>
      tpu.enqueue_dma source(%dma_start3A_55 : memref<1024xf32, #tpu.memory_space<vmem>>) target(%dma_start3A_52 : memref<1024xf32, #tpu.memory_space<hbm>>) target_semaphore(%arg7 : memref<!tpu.dma_semaphore, #tpu.memory_space<semaphore_mem>>)
      %slice3A_56 = vector.extract_strided_slice %get3A_18 {offsets = [2], sizes = [1], strides = [1]} : vector<16xi32> to vector<1xi32>
      %squeeze3A_57 = vector.extract %slice3A_56[0] : i32 from vector<1xi32>
      %jit3A_58 = arith.constant 0 : i32
      %jit3A_59 = arith.constant 1 : i32
      %max3A_60 = arith.maxsi %jit3A_58, %squeeze3A_57 : i32
      %min3A_61 = arith.minsi %jit3A_59, %max3A_60 : i32
      %add3A_62 = arith.constant 2 : i32
      %add3A_63 = arith.addi %add3A_21, %add3A_62 : i32
      %dma_start3A_64 = arith.constant 0 : i32
      %dma_start3A_65 = tpu.memref_slice %arg6[%min3A_61, %dma_start3A_64] : memref<2x1024xf32, #tpu.memory_space<vmem>> -> memref<1x1024xf32, #tpu.memory_space<vmem>>
      %dma_start3A_66 = tpu.memref_squeeze %dma_start3A_65 : memref<1x1024xf32, #tpu.memory_space<vmem>> -> memref<1024xf32, #tpu.memory_space<vmem>>
      %dma_start3A_67 = arith.constant 0 : i32
      %dma_start3A_68 = tpu.memref_slice %arg4[%add3A_63, %dma_start3A_67] : memref<32768x1024xf32, #tpu.memory_space<hbm>> -> memref<1x1024xf32, #tpu.memory_space<hbm>>
      %dma_start3A_69 = tpu.memref_squeeze %dma_start3A_68 : memref<1x1024xf32, #tpu.memory_space<hbm>> -> memref<1024xf32, #tpu.memory_space<hbm>>
      %dma_start3A_70 = arith.constant 0 : i32
      %dma_start3A_71 = tpu.memref_slice %arg4[%add3A_63, %dma_start3A_70] : memref<32768x1024xf32, #tpu.memory_space<hbm>> -> memref<1x1024xf32, #tpu.memory_space<hbm>>
      %dma_start3A_72 = tpu.memref_squeeze %dma_start3A_71 : memref<1x1024xf32, #tpu.memory_space<hbm>> -> memref<1024xf32, #tpu.memory_space<hbm>>
      %dma_start3A_73 = arith.constant 0 : i32
      %dma_start3A_74 = tpu.memref_slice %arg6[%min3A_61, %dma_start3A_73] : memref<2x1024xf32, #tpu.memory_space<vmem>> -> memref<1x1024xf32, #tpu.memory_space<vmem>>
      %dma_start3A_75 = tpu.memref_squeeze %dma_start3A_74 : memref<1x1024xf32, #tpu.memory_space<vmem>> -> memref<1024xf32, #tpu.memory_space<vmem>>
      tpu.enqueue_dma source(%dma_start3A_75 : memref<1024xf32, #tpu.memory_space<vmem>>) target(%dma_start3A_72 : memref<1024xf32, #tpu.memory_space<hbm>>) target_semaphore(%arg7 : memref<!tpu.dma_semaphore, #tpu.memory_space<semaphore_mem>>)
      %slice3A_76 = vector.extract_strided_slice %get3A_18 {offsets = [3], sizes = [1], strides = [1]} : vector<16xi32> to vector<1xi32>
      %squeeze3A_77 = vector.extract %slice3A_76[0] : i32 from vector<1xi32>
      %jit3A_78 = arith.constant 0 : i32
      %jit3A_79 = arith.constant 1 : i32
      %max3A_80 = arith.maxsi %jit3A_78, %squeeze3A_77 : i32
      %min3A_81 = arith.minsi %jit3A_79, %max3A_80 : i32
      %add3A_82 = arith.constant 3 : i32
      %add3A_83 = arith.addi %add3A_21, %add3A_82 : i32
      %dma_start3A_84 = arith.constant 0 : i32
      %dma_start3A_85 = tpu.memref_slice %arg6[%min3A_81, %dma_start3A_84] : memref<2x1024xf32, #tpu.memory_space<vmem>> -> memref<1x1024xf32, #tpu.memory_space<vmem>>
      %dma_start3A_86 = tpu.memref_squeeze %dma_start3A_85 : memref<1x1024xf32, #tpu.memory_space<vmem>> -> memref<1024xf32, #tpu.memory_space<vmem>>
      %dma_start3A_87 = arith.constant 0 : i32
      %dma_start3A_88 = tpu.memref_slice %arg4[%add3A_83, %dma_start3A_87] : memref<32768x1024xf32, #tpu.memory_space<hbm>> -> memref<1x1024xf32, #tpu.memory_space<hbm>>
      %dma_start3A_89 = tpu.memref_squeeze %dma_start3A_88 : memref<1x1024xf32, #tpu.memory_space<hbm>> -> memref<1024xf32, #tpu.memory_space<hbm>>
      %dma_start3A_90 = arith.constant 0 : i32
      %dma_start3A_91 = tpu.memref_slice %arg4[%add3A_83, %dma_start3A_90] : memref<32768x1024xf32, #tpu.memory_space<hbm>> -> memref<1x1024xf32, #tpu.memory_space<hbm>>
      %dma_start3A_92 = tpu.memref_squeeze %dma_start3A_91 : memref<1x1024xf32, #tpu.memory_space<hbm>> -> memref<1024xf32, #tpu.memory_space<hbm>>
      %dma_start3A_93 = arith.constant 0 : i32
      %dma_start3A_94 = tpu.memref_slice %arg6[%min3A_81, %dma_start3A_93] : memref<2x1024xf32, #tpu.memory_space<vmem>> -> memref<1x1024xf32, #tpu.memory_space<vmem>>
      %dma_start3A_95 = tpu.memref_squeeze %dma_start3A_94 : memref<1x1024xf32, #tpu.memory_space<vmem>> -> memref<1024xf32, #tpu.memory_space<vmem>>
      tpu.enqueue_dma source(%dma_start3A_95 : memref<1024xf32, #tpu.memory_space<vmem>>) target(%dma_start3A_92 : memref<1024xf32, #tpu.memory_space<hbm>>) target_semaphore(%arg7 : memref<!tpu.dma_semaphore, #tpu.memory_space<semaphore_mem>>)
      %slice3A_96 = vector.extract_strided_slice %get3A_18 {offsets = [4], sizes = [1], strides = [1]} : vector<16xi32> to vector<1xi32>
      %squeeze3A_97 = vector.extract %slice3A_96[0] : i32 from vector<1xi32>
      %jit3A_98 = arith.constant 0 : i32
      %jit3A_99 = arith.constant 1 : i32
      %max3A_100 = arith.maxsi %jit3A_98, %squeeze3A_97 : i32
      %min3A_101 = arith.minsi %jit3A_99, %max3A_100 : i32
      %add3A_102 = arith.constant 4 : i32
      %add3A_103 = arith.addi %add3A_21, %add3A_102 : i32
      %dma_start3A_104 = arith.constant 0 : i32
      %dma_start3A_105 = tpu.memref_slice %arg6[%min3A_101, %dma_start3A_104] : memref<2x1024xf32, #tpu.memory_space<vmem>> -> memref<1x1024xf32, #tpu.memory_space<vmem>>
      %dma_start3A_106 = tpu.memref_squeeze %dma_start3A_105 : memref<1x1024xf32, #tpu.memory_space<vmem>> -> memref<1024xf32, #tpu.memory_space<vmem>>
      %dma_start3A_107 = arith.constant 0 : i32
      %dma_start3A_108 = tpu.memref_slice %arg4[%add3A_103, %dma_start3A_107] : memref<32768x1024xf32, #tpu.memory_space<hbm>> -> memref<1x1024xf32, #tpu.memory_space<hbm>>
      %dma_start3A_109 = tpu.memref_squeeze %dma_start3A_108 : memref<1x1024xf32, #tpu.memory_space<hbm>> -> memref<1024xf32, #tpu.memory_space<hbm>>
      %dma_start3A_110 = arith.constant 0 : i32
      %dma_start3A_111 = tpu.memref_slice %arg4[%add3A_103, %dma_start3A_110] : memref<32768x1024xf32, #tpu.memory_space<hbm>> -> memref<1x1024xf32, #tpu.memory_space<hbm>>
      %dma_start3A_112 = tpu.memref_squeeze %dma_start3A_111 : memref<1x1024xf32, #tpu.memory_space<hbm>> -> memref<1024xf32, #tpu.memory_space<hbm>>
      %dma_start3A_113 = arith.constant 0 : i32
      %dma_start3A_114 = tpu.memref_slice %arg6[%min3A_101, %dma_start3A_113] : memref<2x1024xf32, #tpu.memory_space<vmem>> -> memref<1x1024xf32, #tpu.memory_space<vmem>>
      %dma_start3A_115 = tpu.memref_squeeze %dma_start3A_114 : memref<1x1024xf32, #tpu.memory_space<vmem>> -> memref<1024xf32, #tpu.memory_space<vmem>>
      tpu.enqueue_dma source(%dma_start3A_115 : memref<1024xf32, #tpu.memory_space<vmem>>) target(%dma_start3A_112 : memref<1024xf32, #tpu.memory_space<hbm>>) target_semaphore(%arg7 : memref<!tpu.dma_semaphore, #tpu.memory_space<semaphore_mem>>)
      %slice3A_116 = vector.extract_strided_slice %get3A_18 {offsets = [5], sizes = [1], strides = [1]} : vector<16xi32> to vector<1xi32>
      %squeeze3A_117 = vector.extract %slice3A_116[0] : i32 from vector<1xi32>
      %jit3A_118 = arith.constant 0 : i32
      %jit3A_119 = arith.constant 1 : i32
      %max3A_120 = arith.maxsi %jit3A_118, %squeeze3A_117 : i32
      %min3A_121 = arith.minsi %jit3A_119, %max3A_120 : i32
      %add3A_122 = arith.constant 5 : i32
      %add3A_123 = arith.addi %add3A_21, %add3A_122 : i32
      %dma_start3A_124 = arith.constant 0 : i32
      %dma_start3A_125 = tpu.memref_slice %arg6[%min3A_121, %dma_start3A_124] : memref<2x1024xf32, #tpu.memory_space<vmem>> -> memref<1x1024xf32, #tpu.memory_space<vmem>>
      %dma_start3A_126 = tpu.memref_squeeze %dma_start3A_125 : memref<1x1024xf32, #tpu.memory_space<vmem>> -> memref<1024xf32, #tpu.memory_space<vmem>>
      %dma_start3A_127 = arith.constant 0 : i32
      %dma_start3A_128 = tpu.memref_slice %arg4[%add3A_123, %dma_start3A_127] : memref<32768x1024xf32, #tpu.memory_space<hbm>> -> memref<1x1024xf32, #tpu.memory_space<hbm>>
      %dma_start3A_129 = tpu.memref_squeeze %dma_start3A_128 : memref<1x1024xf32, #tpu.memory_space<hbm>> -> memref<1024xf32, #tpu.memory_space<hbm>>
      %dma_start3A_130 = arith.constant 0 : i32
      %dma_start3A_131 = tpu.memref_slice %arg4[%add3A_123, %dma_start3A_130] : memref<32768x1024xf32, #tpu.memory_space<hbm>> -> memref<1x1024xf32, #tpu.memory_space<hbm>>
      %dma_start3A_132 = tpu.memref_squeeze %dma_start3A_131 : memref<1x1024xf32, #tpu.memory_space<hbm>> -> memref<1024xf32, #tpu.memory_space<hbm>>
      %dma_start3A_133 = arith.constant 0 : i32
      %dma_start3A_134 = tpu.memref_slice %arg6[%min3A_121, %dma_start3A_133] : memref<2x1024xf32, #tpu.memory_space<vmem>> -> memref<1x1024xf32, #tpu.memory_space<vmem>>
      %dma_start3A_135 = tpu.memref_squeeze %dma_start3A_134 : memref<1x1024xf32, #tpu.memory_space<vmem>> -> memref<1024xf32, #tpu.memory_space<vmem>>
      tpu.enqueue_dma source(%dma_start3A_135 : memref<1024xf32, #tpu.memory_space<vmem>>) target(%dma_start3A_132 : memref<1024xf32, #tpu.memory_space<hbm>>) target_semaphore(%arg7 : memref<!tpu.dma_semaphore, #tpu.memory_space<semaphore_mem>>)
      %slice3A_136 = vector.extract_strided_slice %get3A_18 {offsets = [6], sizes = [1], strides = [1]} : vector<16xi32> to vector<1xi32>
      %squeeze3A_137 = vector.extract %slice3A_136[0] : i32 from vector<1xi32>
      %jit3A_138 = arith.constant 0 : i32
      %jit3A_139 = arith.constant 1 : i32
      %max3A_140 = arith.maxsi %jit3A_138, %squeeze3A_137 : i32
      %min3A_141 = arith.minsi %jit3A_139, %max3A_140 : i32
      %add3A_142 = arith.constant 6 : i32
      %add3A_143 = arith.addi %add3A_21, %add3A_142 : i32
      %dma_start3A_144 = arith.constant 0 : i32
      %dma_start3A_145 = tpu.memref_slice %arg6[%min3A_141, %dma_start3A_144] : memref<2x1024xf32, #tpu.memory_space<vmem>> -> memref<1x1024xf32, #tpu.memory_space<vmem>>
      %dma_start3A_146 = tpu.memref_squeeze %dma_start3A_145 : memref<1x1024xf32, #tpu.memory_space<vmem>> -> memref<1024xf32, #tpu.memory_space<vmem>>
      %dma_start3A_147 = arith.constant 0 : i32
      %dma_start3A_148 = tpu.memref_slice %arg4[%add3A_143, %dma_start3A_147] : memref<32768x1024xf32, #tpu.memory_space<hbm>> -> memref<1x1024xf32, #tpu.memory_space<hbm>>
      %dma_start3A_149 = tpu.memref_squeeze %dma_start3A_148 : memref<1x1024xf32, #tpu.memory_space<hbm>> -> memref<1024xf32, #tpu.memory_space<hbm>>
      %dma_start3A_150 = arith.constant 0 : i32
      %dma_start3A_151 = tpu.memref_slice %arg4[%add3A_143, %dma_start3A_150] : memref<32768x1024xf32, #tpu.memory_space<hbm>> -> memref<1x1024xf32, #tpu.memory_space<hbm>>
      %dma_start3A_152 = tpu.memref_squeeze %dma_start3A_151 : memref<1x1024xf32, #tpu.memory_space<hbm>> -> memref<1024xf32, #tpu.memory_space<hbm>>
      %dma_start3A_153 = arith.constant 0 : i32
      %dma_start3A_154 = tpu.memref_slice %arg6[%min3A_141, %dma_start3A_153] : memref<2x1024xf32, #tpu.memory_space<vmem>> -> memref<1x1024xf32, #tpu.memory_space<vmem>>
      %dma_start3A_155 = tpu.memref_squeeze %dma_start3A_154 : memref<1x1024xf32, #tpu.memory_space<vmem>> -> memref<1024xf32, #tpu.memory_space<vmem>>
      tpu.enqueue_dma source(%dma_start3A_155 : memref<1024xf32, #tpu.memory_space<vmem>>) target(%dma_start3A_152 : memref<1024xf32, #tpu.memory_space<hbm>>) target_semaphore(%arg7 : memref<!tpu.dma_semaphore, #tpu.memory_space<semaphore_mem>>)
      %slice3A_156 = vector.extract_strided_slice %get3A_18 {offsets = [7], sizes = [1], strides = [1]} : vector<16xi32> to vector<1xi32>
      %squeeze3A_157 = vector.extract %slice3A_156[0] : i32 from vector<1xi32>
      %jit3A_158 = arith.constant 0 : i32
      %jit3A_159 = arith.constant 1 : i32
      %max3A_160 = arith.maxsi %jit3A_158, %squeeze3A_157 : i32
      %min3A_161 = arith.minsi %jit3A_159, %max3A_160 : i32
      %add3A_162 = arith.constant 7 : i32
      %add3A_163 = arith.addi %add3A_21, %add3A_162 : i32
      %dma_start3A_164 = arith.constant 0 : i32
      %dma_start3A_165 = tpu.memref_slice %arg6[%min3A_161, %dma_start3A_164] : memref<2x1024xf32, #tpu.memory_space<vmem>> -> memref<1x1024xf32, #tpu.memory_space<vmem>>
      %dma_start3A_166 = tpu.memref_squeeze %dma_start3A_165 : memref<1x1024xf32, #tpu.memory_space<vmem>> -> memref<1024xf32, #tpu.memory_space<vmem>>
      %dma_start3A_167 = arith.constant 0 : i32
      %dma_start3A_168 = tpu.memref_slice %arg4[%add3A_163, %dma_start3A_167] : memref<32768x1024xf32, #tpu.memory_space<hbm>> -> memref<1x1024xf32, #tpu.memory_space<hbm>>
      %dma_start3A_169 = tpu.memref_squeeze %dma_start3A_168 : memref<1x1024xf32, #tpu.memory_space<hbm>> -> memref<1024xf32, #tpu.memory_space<hbm>>
      %dma_start3A_170 = arith.constant 0 : i32
      %dma_start3A_171 = tpu.memref_slice %arg4[%add3A_163, %dma_start3A_170] : memref<32768x1024xf32, #tpu.memory_space<hbm>> -> memref<1x1024xf32, #tpu.memory_space<hbm>>
      %dma_start3A_172 = tpu.memref_squeeze %dma_start3A_171 : memref<1x1024xf32, #tpu.memory_space<hbm>> -> memref<1024xf32, #tpu.memory_space<hbm>>
      %dma_start3A_173 = arith.constant 0 : i32
      %dma_start3A_174 = tpu.memref_slice %arg6[%min3A_161, %dma_start3A_173] : memref<2x1024xf32, #tpu.memory_space<vmem>> -> memref<1x1024xf32, #tpu.memory_space<vmem>>
      %dma_start3A_175 = tpu.memref_squeeze %dma_start3A_174 : memref<1x1024xf32, #tpu.memory_space<vmem>> -> memref<1024xf32, #tpu.memory_space<vmem>>
      tpu.enqueue_dma source(%dma_start3A_175 : memref<1024xf32, #tpu.memory_space<vmem>>) target(%dma_start3A_172 : memref<1024xf32, #tpu.memory_space<hbm>>) target_semaphore(%arg7 : memref<!tpu.dma_semaphore, #tpu.memory_space<semaphore_mem>>)
      %slice3A_176 = vector.extract_strided_slice %get3A_18 {offsets = [8], sizes = [1], strides = [1]} : vector<16xi32> to vector<1xi32>
      %squeeze3A_177 = vector.extract %slice3A_176[0] : i32 from vector<1xi32>
      %jit3A_178 = arith.constant 0 : i32
      %jit3A_179 = arith.constant 1 : i32
      %max3A_180 = arith.maxsi %jit3A_178, %squeeze3A_177 : i32
      %min3A_181 = arith.minsi %jit3A_179, %max3A_180 : i32
      %add3A_182 = arith.constant 8 : i32
      %add3A_183 = arith.addi %add3A_21, %add3A_182 : i32
      %dma_start3A_184 = arith.constant 0 : i32
      %dma_start3A_185 = tpu.memref_slice %arg6[%min3A_181, %dma_start3A_184] : memref<2x1024xf32, #tpu.memory_space<vmem>> -> memref<1x1024xf32, #tpu.memory_space<vmem>>
      %dma_start3A_186 = tpu.memref_squeeze %dma_start3A_185 : memref<1x1024xf32, #tpu.memory_space<vmem>> -> memref<1024xf32, #tpu.memory_space<vmem>>
      %dma_start3A_187 = arith.constant 0 : i32
      %dma_start3A_188 = tpu.memref_slice %arg4[%add3A_183, %dma_start3A_187] : memref<32768x1024xf32, #tpu.memory_space<hbm>> -> memref<1x1024xf32, #tpu.memory_space<hbm>>
      %dma_start3A_189 = tpu.memref_squeeze %dma_start3A_188 : memref<1x1024xf32, #tpu.memory_space<hbm>> -> memref<1024xf32, #tpu.memory_space<hbm>>
      %dma_start3A_190 = arith.constant 0 : i32
      %dma_start3A_191 = tpu.memref_slice %arg4[%add3A_183, %dma_start3A_190] : memref<32768x1024xf32, #tpu.memory_space<hbm>> -> memref<1x1024xf32, #tpu.memory_space<hbm>>
      %dma_start3A_192 = tpu.memref_squeeze %dma_start3A_191 : memref<1x1024xf32, #tpu.memory_space<hbm>> -> memref<1024xf32, #tpu.memory_space<hbm>>
      %dma_start3A_193 = arith.constant 0 : i32
      %dma_start3A_194 = tpu.memref_slice %arg6[%min3A_181, %dma_start3A_193] : memref<2x1024xf32, #tpu.memory_space<vmem>> -> memref<1x1024xf32, #tpu.memory_space<vmem>>
      %dma_start3A_195 = tpu.memref_squeeze %dma_start3A_194 : memref<1x1024xf32, #tpu.memory_space<vmem>> -> memref<1024xf32, #tpu.memory_space<vmem>>
      tpu.enqueue_dma source(%dma_start3A_195 : memref<1024xf32, #tpu.memory_space<vmem>>) target(%dma_start3A_192 : memref<1024xf32, #tpu.memory_space<hbm>>) target_semaphore(%arg7 : memref<!tpu.dma_semaphore, #tpu.memory_space<semaphore_mem>>)
      %slice3A_196 = vector.extract_strided_slice %get3A_18 {offsets = [9], sizes = [1], strides = [1]} : vector<16xi32> to vector<1xi32>
      %squeeze3A_197 = vector.extract %slice3A_196[0] : i32 from vector<1xi32>
      %jit3A_198 = arith.constant 0 : i32
      %jit3A_199 = arith.constant 1 : i32
      %max3A_200 = arith.maxsi %jit3A_198, %squeeze3A_197 : i32
      %min3A_201 = arith.minsi %jit3A_199, %max3A_200 : i32
      %add3A_202 = arith.constant 9 : i32
      %add3A_203 = arith.addi %add3A_21, %add3A_202 : i32
      %dma_start3A_204 = arith.constant 0 : i32
      %dma_start3A_205 = tpu.memref_slice %arg6[%min3A_201, %dma_start3A_204] : memref<2x1024xf32, #tpu.memory_space<vmem>> -> memref<1x1024xf32, #tpu.memory_space<vmem>>
      %dma_start3A_206 = tpu.memref_squeeze %dma_start3A_205 : memref<1x1024xf32, #tpu.memory_space<vmem>> -> memref<1024xf32, #tpu.memory_space<vmem>>
      %dma_start3A_207 = arith.constant 0 : i32
      %dma_start3A_208 = tpu.memref_slice %arg4[%add3A_203, %dma_start3A_207] : memref<32768x1024xf32, #tpu.memory_space<hbm>> -> memref<1x1024xf32, #tpu.memory_space<hbm>>
      %dma_start3A_209 = tpu.memref_squeeze %dma_start3A_208 : memref<1x1024xf32, #tpu.memory_space<hbm>> -> memref<1024xf32, #tpu.memory_space<hbm>>
      %dma_start3A_210 = arith.constant 0 : i32
      %dma_start3A_211 = tpu.memref_slice %arg4[%add3A_203, %dma_start3A_210] : memref<32768x1024xf32, #tpu.memory_space<hbm>> -> memref<1x1024xf32, #tpu.memory_space<hbm>>
      %dma_start3A_212 = tpu.memref_squeeze %dma_start3A_211 : memref<1x1024xf32, #tpu.memory_space<hbm>> -> memref<1024xf32, #tpu.memory_space<hbm>>
      %dma_start3A_213 = arith.constant 0 : i32
      %dma_start3A_214 = tpu.memref_slice %arg6[%min3A_201, %dma_start3A_213] : memref<2x1024xf32, #tpu.memory_space<vmem>> -> memref<1x1024xf32, #tpu.memory_space<vmem>>
      %dma_start3A_215 = tpu.memref_squeeze %dma_start3A_214 : memref<1x1024xf32, #tpu.memory_space<vmem>> -> memref<1024xf32, #tpu.memory_space<vmem>>
      tpu.enqueue_dma source(%dma_start3A_215 : memref<1024xf32, #tpu.memory_space<vmem>>) target(%dma_start3A_212 : memref<1024xf32, #tpu.memory_space<hbm>>) target_semaphore(%arg7 : memref<!tpu.dma_semaphore, #tpu.memory_space<semaphore_mem>>)
      %slice3A_216 = vector.extract_strided_slice %get3A_18 {offsets = [10], sizes = [1], strides = [1]} : vector<16xi32> to vector<1xi32>
      %squeeze3A_217 = vector.extract %slice3A_216[0] : i32 from vector<1xi32>
      %jit3A_218 = arith.constant 0 : i32
      %jit3A_219 = arith.constant 1 : i32
      %max3A_220 = arith.maxsi %jit3A_218, %squeeze3A_217 : i32
      %min3A_221 = arith.minsi %jit3A_219, %max3A_220 : i32
      %add3A_222 = arith.constant 10 : i32
      %add3A_223 = arith.addi %add3A_21, %add3A_222 : i32
      %dma_start3A_224 = arith.constant 0 : i32
      %dma_start3A_225 = tpu.memref_slice %arg6[%min3A_221, %dma_start3A_224] : memref<2x1024xf32, #tpu.memory_space<vmem>> -> memref<1x1024xf32, #tpu.memory_space<vmem>>
      %dma_start3A_226 = tpu.memref_squeeze %dma_start3A_225 : memref<1x1024xf32, #tpu.memory_space<vmem>> -> memref<1024xf32, #tpu.memory_space<vmem>>
      %dma_start3A_227 = arith.constant 0 : i32
      %dma_start3A_228 = tpu.memref_slice %arg4[%add3A_223, %dma_start3A_227] : memref<32768x1024xf32, #tpu.memory_space<hbm>> -> memref<1x1024xf32, #tpu.memory_space<hbm>>
      %dma_start3A_229 = tpu.memref_squeeze %dma_start3A_228 : memref<1x1024xf32, #tpu.memory_space<hbm>> -> memref<1024xf32, #tpu.memory_space<hbm>>
      %dma_start3A_230 = arith.constant 0 : i32
      %dma_start3A_231 = tpu.memref_slice %arg4[%add3A_223, %dma_start3A_230] : memref<32768x1024xf32, #tpu.memory_space<hbm>> -> memref<1x1024xf32, #tpu.memory_space<hbm>>
      %dma_start3A_232 = tpu.memref_squeeze %dma_start3A_231 : memref<1x1024xf32, #tpu.memory_space<hbm>> -> memref<1024xf32, #tpu.memory_space<hbm>>
      %dma_start3A_233 = arith.constant 0 : i32
      %dma_start3A_234 = tpu.memref_slice %arg6[%min3A_221, %dma_start3A_233] : memref<2x1024xf32, #tpu.memory_space<vmem>> -> memref<1x1024xf32, #tpu.memory_space<vmem>>
      %dma_start3A_235 = tpu.memref_squeeze %dma_start3A_234 : memref<1x1024xf32, #tpu.memory_space<vmem>> -> memref<1024xf32, #tpu.memory_space<vmem>>
      tpu.enqueue_dma source(%dma_start3A_235 : memref<1024xf32, #tpu.memory_space<vmem>>) target(%dma_start3A_232 : memref<1024xf32, #tpu.memory_space<hbm>>) target_semaphore(%arg7 : memref<!tpu.dma_semaphore, #tpu.memory_space<semaphore_mem>>)
      %slice3A_236 = vector.extract_strided_slice %get3A_18 {offsets = [11], sizes = [1], strides = [1]} : vector<16xi32> to vector<1xi32>
      %squeeze3A_237 = vector.extract %slice3A_236[0] : i32 from vector<1xi32>
      %jit3A_238 = arith.constant 0 : i32
      %jit3A_239 = arith.constant 1 : i32
      %max3A_240 = arith.maxsi %jit3A_238, %squeeze3A_237 : i32
      %min3A_241 = arith.minsi %jit3A_239, %max3A_240 : i32
      %add3A_242 = arith.constant 11 : i32
      %add3A_243 = arith.addi %add3A_21, %add3A_242 : i32
      %dma_start3A_244 = arith.constant 0 : i32
      %dma_start3A_245 = tpu.memref_slice %arg6[%min3A_241, %dma_start3A_244] : memref<2x1024xf32, #tpu.memory_space<vmem>> -> memref<1x1024xf32, #tpu.memory_space<vmem>>
      %dma_start3A_246 = tpu.memref_squeeze %dma_start3A_245 : memref<1x1024xf32, #tpu.memory_space<vmem>> -> memref<1024xf32, #tpu.memory_space<vmem>>
      %dma_start3A_247 = arith.constant 0 : i32
      %dma_start3A_248 = tpu.memref_slice %arg4[%add3A_243, %dma_start3A_247] : memref<32768x1024xf32, #tpu.memory_space<hbm>> -> memref<1x1024xf32, #tpu.memory_space<hbm>>
      %dma_start3A_249 = tpu.memref_squeeze %dma_start3A_248 : memref<1x1024xf32, #tpu.memory_space<hbm>> -> memref<1024xf32, #tpu.memory_space<hbm>>
      %dma_start3A_250 = arith.constant 0 : i32
      %dma_start3A_251 = tpu.memref_slice %arg4[%add3A_243, %dma_start3A_250] : memref<32768x1024xf32, #tpu.memory_space<hbm>> -> memref<1x1024xf32, #tpu.memory_space<hbm>>
      %dma_start3A_252 = tpu.memref_squeeze %dma_start3A_251 : memref<1x1024xf32, #tpu.memory_space<hbm>> -> memref<1024xf32, #tpu.memory_space<hbm>>
      %dma_start3A_253 = arith.constant 0 : i32
      %dma_start3A_254 = tpu.memref_slice %arg6[%min3A_241, %dma_start3A_253] : memref<2x1024xf32, #tpu.memory_space<vmem>> -> memref<1x1024xf32, #tpu.memory_space<vmem>>
      %dma_start3A_255 = tpu.memref_squeeze %dma_start3A_254 : memref<1x1024xf32, #tpu.memory_space<vmem>> -> memref<1024xf32, #tpu.memory_space<vmem>>
      tpu.enqueue_dma source(%dma_start3A_255 : memref<1024xf32, #tpu.memory_space<vmem>>) target(%dma_start3A_252 : memref<1024xf32, #tpu.memory_space<hbm>>) target_semaphore(%arg7 : memref<!tpu.dma_semaphore, #tpu.memory_space<semaphore_mem>>)
      %slice3A_256 = vector.extract_strided_slice %get3A_18 {offsets = [12], sizes = [1], strides = [1]} : vector<16xi32> to vector<1xi32>
      %squeeze3A_257 = vector.extract %slice3A_256[0] : i32 from vector<1xi32>
      %jit3A_258 = arith.constant 0 : i32
      %jit3A_259 = arith.constant 1 : i32
      %max3A_260 = arith.maxsi %jit3A_258, %squeeze3A_257 : i32
      %min3A_261 = arith.minsi %jit3A_259, %max3A_260 : i32
      %add3A_262 = arith.constant 12 : i32
      %add3A_263 = arith.addi %add3A_21, %add3A_262 : i32
      %dma_start3A_264 = arith.constant 0 : i32
      %dma_start3A_265 = tpu.memref_slice %arg6[%min3A_261, %dma_start3A_264] : memref<2x1024xf32, #tpu.memory_space<vmem>> -> memref<1x1024xf32, #tpu.memory_space<vmem>>
      %dma_start3A_266 = tpu.memref_squeeze %dma_start3A_265 : memref<1x1024xf32, #tpu.memory_space<vmem>> -> memref<1024xf32, #tpu.memory_space<vmem>>
      %dma_start3A_267 = arith.constant 0 : i32
      %dma_start3A_268 = tpu.memref_slice %arg4[%add3A_263, %dma_start3A_267] : memref<32768x1024xf32, #tpu.memory_space<hbm>> -> memref<1x1024xf32, #tpu.memory_space<hbm>>
      %dma_start3A_269 = tpu.memref_squeeze %dma_start3A_268 : memref<1x1024xf32, #tpu.memory_space<hbm>> -> memref<1024xf32, #tpu.memory_space<hbm>>
      %dma_start3A_270 = arith.constant 0 : i32
      %dma_start3A_271 = tpu.memref_slice %arg4[%add3A_263, %dma_start3A_270] : memref<32768x1024xf32, #tpu.memory_space<hbm>> -> memref<1x1024xf32, #tpu.memory_space<hbm>>
      %dma_start3A_272 = tpu.memref_squeeze %dma_start3A_271 : memref<1x1024xf32, #tpu.memory_space<hbm>> -> memref<1024xf32, #tpu.memory_space<hbm>>
      %dma_start3A_273 = arith.constant 0 : i32
      %dma_start3A_274 = tpu.memref_slice %arg6[%min3A_261, %dma_start3A_273] : memref<2x1024xf32, #tpu.memory_space<vmem>> -> memref<1x1024xf32, #tpu.memory_space<vmem>>
      %dma_start3A_275 = tpu.memref_squeeze %dma_start3A_274 : memref<1x1024xf32, #tpu.memory_space<vmem>> -> memref<1024xf32, #tpu.memory_space<vmem>>
      tpu.enqueue_dma source(%dma_start3A_275 : memref<1024xf32, #tpu.memory_space<vmem>>) target(%dma_start3A_272 : memref<1024xf32, #tpu.memory_space<hbm>>) target_semaphore(%arg7 : memref<!tpu.dma_semaphore, #tpu.memory_space<semaphore_mem>>)
      %slice3A_276 = vector.extract_strided_slice %get3A_18 {offsets = [13], sizes = [1], strides = [1]} : vector<16xi32> to vector<1xi32>
      %squeeze3A_277 = vector.extract %slice3A_276[0] : i32 from vector<1xi32>
      %jit3A_278 = arith.constant 0 : i32
      %jit3A_279 = arith.constant 1 : i32
      %max3A_280 = arith.maxsi %jit3A_278, %squeeze3A_277 : i32
      %min3A_281 = arith.minsi %jit3A_279, %max3A_280 : i32
      %add3A_282 = arith.constant 13 : i32
      %add3A_283 = arith.addi %add3A_21, %add3A_282 : i32
      %dma_start3A_284 = arith.constant 0 : i32
      %dma_start3A_285 = tpu.memref_slice %arg6[%min3A_281, %dma_start3A_284] : memref<2x1024xf32, #tpu.memory_space<vmem>> -> memref<1x1024xf32, #tpu.memory_space<vmem>>
      %dma_start3A_286 = tpu.memref_squeeze %dma_start3A_285 : memref<1x1024xf32, #tpu.memory_space<vmem>> -> memref<1024xf32, #tpu.memory_space<vmem>>
      %dma_start3A_287 = arith.constant 0 : i32
      %dma_start3A_288 = tpu.memref_slice %arg4[%add3A_283, %dma_start3A_287] : memref<32768x1024xf32, #tpu.memory_space<hbm>> -> memref<1x1024xf32, #tpu.memory_space<hbm>>
      %dma_start3A_289 = tpu.memref_squeeze %dma_start3A_288 : memref<1x1024xf32, #tpu.memory_space<hbm>> -> memref<1024xf32, #tpu.memory_space<hbm>>
      %dma_start3A_290 = arith.constant 0 : i32
      %dma_start3A_291 = tpu.memref_slice %arg4[%add3A_283, %dma_start3A_290] : memref<32768x1024xf32, #tpu.memory_space<hbm>> -> memref<1x1024xf32, #tpu.memory_space<hbm>>
      %dma_start3A_292 = tpu.memref_squeeze %dma_start3A_291 : memref<1x1024xf32, #tpu.memory_space<hbm>> -> memref<1024xf32, #tpu.memory_space<hbm>>
      %dma_start3A_293 = arith.constant 0 : i32
      %dma_start3A_294 = tpu.memref_slice %arg6[%min3A_281, %dma_start3A_293] : memref<2x1024xf32, #tpu.memory_space<vmem>> -> memref<1x1024xf32, #tpu.memory_space<vmem>>
      %dma_start3A_295 = tpu.memref_squeeze %dma_start3A_294 : memref<1x1024xf32, #tpu.memory_space<vmem>> -> memref<1024xf32, #tpu.memory_space<vmem>>
      tpu.enqueue_dma source(%dma_start3A_295 : memref<1024xf32, #tpu.memory_space<vmem>>) target(%dma_start3A_292 : memref<1024xf32, #tpu.memory_space<hbm>>) target_semaphore(%arg7 : memref<!tpu.dma_semaphore, #tpu.memory_space<semaphore_mem>>)
      %slice3A_296 = vector.extract_strided_slice %get3A_18 {offsets = [14], sizes = [1], strides = [1]} : vector<16xi32> to vector<1xi32>
      %squeeze3A_297 = vector.extract %slice3A_296[0] : i32 from vector<1xi32>
      %jit3A_298 = arith.constant 0 : i32
      %jit3A_299 = arith.constant 1 : i32
      %max3A_300 = arith.maxsi %jit3A_298, %squeeze3A_297 : i32
      %min3A_301 = arith.minsi %jit3A_299, %max3A_300 : i32
      %add3A_302 = arith.constant 14 : i32
      %add3A_303 = arith.addi %add3A_21, %add3A_302 : i32
      %dma_start3A_304 = arith.constant 0 : i32
      %dma_start3A_305 = tpu.memref_slice %arg6[%min3A_301, %dma_start3A_304] : memref<2x1024xf32, #tpu.memory_space<vmem>> -> memref<1x1024xf32, #tpu.memory_space<vmem>>
      %dma_start3A_306 = tpu.memref_squeeze %dma_start3A_305 : memref<1x1024xf32, #tpu.memory_space<vmem>> -> memref<1024xf32, #tpu.memory_space<vmem>>
      %dma_start3A_307 = arith.constant 0 : i32
      %dma_start3A_308 = tpu.memref_slice %arg4[%add3A_303, %dma_start3A_307] : memref<32768x1024xf32, #tpu.memory_space<hbm>> -> memref<1x1024xf32, #tpu.memory_space<hbm>>
      %dma_start3A_309 = tpu.memref_squeeze %dma_start3A_308 : memref<1x1024xf32, #tpu.memory_space<hbm>> -> memref<1024xf32, #tpu.memory_space<hbm>>
      %dma_start3A_310 = arith.constant 0 : i32
      %dma_start3A_311 = tpu.memref_slice %arg4[%add3A_303, %dma_start3A_310] : memref<32768x1024xf32, #tpu.memory_space<hbm>> -> memref<1x1024xf32, #tpu.memory_space<hbm>>
      %dma_start3A_312 = tpu.memref_squeeze %dma_start3A_311 : memref<1x1024xf32, #tpu.memory_space<hbm>> -> memref<1024xf32, #tpu.memory_space<hbm>>
      %dma_start3A_313 = arith.constant 0 : i32
      %dma_start3A_314 = tpu.memref_slice %arg6[%min3A_301, %dma_start3A_313] : memref<2x1024xf32, #tpu.memory_space<vmem>> -> memref<1x1024xf32, #tpu.memory_space<vmem>>
      %dma_start3A_315 = tpu.memref_squeeze %dma_start3A_314 : memref<1x1024xf32, #tpu.memory_space<vmem>> -> memref<1024xf32, #tpu.memory_space<vmem>>
      tpu.enqueue_dma source(%dma_start3A_315 : memref<1024xf32, #tpu.memory_space<vmem>>) target(%dma_start3A_312 : memref<1024xf32, #tpu.memory_space<hbm>>) target_semaphore(%arg7 : memref<!tpu.dma_semaphore, #tpu.memory_space<semaphore_mem>>)
      %slice3A_316 = vector.extract_strided_slice %get3A_18 {offsets = [15], sizes = [1], strides = [1]} : vector<16xi32> to vector<1xi32>
      %squeeze3A_317 = vector.extract %slice3A_316[0] : i32 from vector<1xi32>
      %jit3A_318 = arith.constant 0 : i32
      %jit3A_319 = arith.constant 1 : i32
      %max3A_320 = arith.maxsi %jit3A_318, %squeeze3A_317 : i32
      %min3A_321 = arith.minsi %jit3A_319, %max3A_320 : i32
      %add3A_322 = arith.constant 15 : i32
      %add3A_323 = arith.addi %add3A_21, %add3A_322 : i32
      %dma_start3A_324 = arith.constant 0 : i32
      %dma_start3A_325 = tpu.memref_slice %arg6[%min3A_321, %dma_start3A_324] : memref<2x1024xf32, #tpu.memory_space<vmem>> -> memref<1x1024xf32, #tpu.memory_space<vmem>>
      %dma_start3A_326 = tpu.memref_squeeze %dma_start3A_325 : memref<1x1024xf32, #tpu.memory_space<vmem>> -> memref<1024xf32, #tpu.memory_space<vmem>>
      %dma_start3A_327 = arith.constant 0 : i32
      %dma_start3A_328 = tpu.memref_slice %arg4[%add3A_323, %dma_start3A_327] : memref<32768x1024xf32, #tpu.memory_space<hbm>> -> memref<1x1024xf32, #tpu.memory_space<hbm>>
      %dma_start3A_329 = tpu.memref_squeeze %dma_start3A_328 : memref<1x1024xf32, #tpu.memory_space<hbm>> -> memref<1024xf32, #tpu.memory_space<hbm>>
      %dma_start3A_330 = arith.constant 0 : i32
      %dma_start3A_331 = tpu.memref_slice %arg4[%add3A_323, %dma_start3A_330] : memref<32768x1024xf32, #tpu.memory_space<hbm>> -> memref<1x1024xf32, #tpu.memory_space<hbm>>
      %dma_start3A_332 = tpu.memref_squeeze %dma_start3A_331 : memref<1x1024xf32, #tpu.memory_space<hbm>> -> memref<1024xf32, #tpu.memory_space<hbm>>
      %dma_start3A_333 = arith.constant 0 : i32
      %dma_start3A_334 = tpu.memref_slice %arg6[%min3A_321, %dma_start3A_333] : memref<2x1024xf32, #tpu.memory_space<vmem>> -> memref<1x1024xf32, #tpu.memory_space<vmem>>
      %dma_start3A_335 = tpu.memref_squeeze %dma_start3A_334 : memref<1x1024xf32, #tpu.memory_space<vmem>> -> memref<1024xf32, #tpu.memory_space<vmem>>
      tpu.enqueue_dma source(%dma_start3A_335 : memref<1024xf32, #tpu.memory_space<vmem>>) target(%dma_start3A_332 : memref<1024xf32, #tpu.memory_space<hbm>>) target_semaphore(%arg7 : memref<!tpu.dma_semaphore, #tpu.memory_space<semaphore_mem>>)
      %scan3A_336 = arith.constant 0 : i32
      scf.yield %scan3A_336 : i32
    }
    %scan3A_8 = arith.constant 64 : i32
    %dma_wait3A = arith.constant 0 : i32
    %dma_wait3A_9 = tpu.memref_slice %arg4[%mul3A_2, %dma_wait3A] : memref<32768x1024xf32, #tpu.memory_space<hbm>> -> memref<1024x1024xf32, #tpu.memory_space<hbm>>
    %dma_wait3A_10 = arith.constant 0 : i32
    %dma_wait3A_11 = arith.constant 0 : i32
    %dma_wait3A_12 = tpu.memref_slice %arg4[%dma_wait3A_10, %dma_wait3A_11] : memref<32768x1024xf32, #tpu.memory_space<hbm>> -> memref<1024x1024xf32, #tpu.memory_space<hbm>>
    tpu.wait_dma2 semaphore(%arg7 : memref<!tpu.dma_semaphore, #tpu.memory_space<semaphore_mem>>) src(%dma_wait3A_12 : memref<1024x1024xf32, #tpu.memory_space<hbm>>) dst(%dma_wait3A_9 : memref<1024x1024xf32, #tpu.memory_space<hbm>>)
    return
  }
}

</mosaic_0001>

<sc_bundles>
// kernel: kernel.3.cloned.1.call-start
scs
__scs_entry_jumppad:
0x0: {  	(pc) =	sbr.rel $0x88, $3  }
0x1: {  	(tag) =	ssettag $0x0;
	lr =	simm.s32 $0x1  }
0x2: {  	[smem:$0x3F9F] =	sst lr;
	_ =	strace $0xD0000000  }
0x3: {  	_ = 	snop  }
0x4: {  	_ = 	snop  }
0x5: {  	_ = 	snop  }
0x6: {  	_ = 	snop  }
0x7: {  	_ = 	snop  }
__scs_overlays_trampoline_lowered:
0x8: {  	[smem:$0x3FAE] =	sst s0  }
0x9: {  	[smem:$0x3FAF] =	sst s1  }
0xa: {  	[smem:$0x3FB0] =	sst s2  }
0xb: {  	[smem:$0x3FB1] =	sst s3  }
0xc: {  	[smem:$0x3FB2] =	sst s4  }
0xd: {  	[smem:$0x3FB3] =	sst s5  }
0xe: {  	[smem:$0x3FB4] =	sst s6  }
0xf: {  	[smem:$0x3FB5] =	sst s7  }
0x10: {  	[smem:$0x3FB6] =	sst s8  }
0x11: {  	[smem:$0x3FB7] =	sst s9;
	s0 =	simm.s32 @!p0 $0x0  }
0x12: {  	s1 =	sld [smem:$0x3F9D];
	s0 =	simm.s32 @p0 $0x1  }
0x13: {  	[smem:$0x3FB8] =	sst s0;
	s0 =	simm.s32 @!p1 $0x0  }
0x14: {  	s2 =	sld [smem:$0x3F9C];
	s0 =	simm.s32 @p1 $0x1  }
0x15: {  	[smem:$0x3FB9] =	sst s0;
	s0 =	simm.s32 @!p2 $0x0  }
0x16: {  	s3 =	sld [smem:$0x3FDB];
	s0 =	simm.s32 @p2 $0x1  }
0x17: {  	s4 =	simm.s32 $0x1BF5;
	[smem:$0x3FBB] =	sst s0  }
0x18: {  	s0 =	sld [smem:$0x3F9E];
	_ =	swait.ge [sflag:s4], $0x0  }
0x19: {  	s7 =	sld [smem:$0x3F9F]  }
0x1a: {  	s8 =	sadd.s32 $0xFFFFE003, lr  }
0x1b: {  	s9 =	sadd.s32 $0xFFFFFEF7, lr;
	s5 =	simm.s32 $0xFFFFFFFF;
	p2 =	slt.u32 s8, $0xFFFFF086  }
0x1c: {  	p1 =	slt.u32 s9, $0xF7A;
	s5 =	simm.s32 @!p2 $0x0  }
0x1d: {  	s5 =	simm.s32 @p1 $0x1;
	p0 =	seq.s32 s7, s2  }
0x1e: {  	s7 =	smul.u32 @!p0 $0xF7A, s2;
	p2 =	seq.s32 @!p0 s5, $0x0  }
0x1f: {  	s9 =	smul.u32 $0xF7A, s1;
	s8 =	simm.s32 @!p0 $0x1BF5;
	p2 =	por !p2, p0  }
0x20: {  	[sflag:s8] =	ssyncset.s32 @!p0 $0xFFFFF086;
	s6 =	sadd.s32 @!p0 s3, s7;
	s7 =	simm.s32 @!p0 $0x108  }
0x21: {  	s3 =	sadd.s32 s3, s9;
	s6 =	sadd.s32 @!p0 $0x88, s6;
	s7 =	simm.s32 @p2 $0x1082  }
0x22: {  	[simem:s7], [sflag:s8] =	dma.local @!p0 [hbm:s6], $0xF7A  }
0x23: {  	s9 =	sor.u32 $0xD0000000, s2;
	s6 =	simm.s32 $0x108;
	_ =	swait.ge @!p0 [sflag:s8], $0x0  }
0x24: {  	s3 =	sadd.s32 $0x88, s3;
	s6 =	simm.s32 @!p1 $0x1082;
	[sflag:s4] =	ssyncset.s32 $0xFFFFF086  }
0x25: {  	[simem:s6], [sflag:s4] =	dma.local [hbm:s3], $0xF7A  }
0x26: {  	[smem:$0x3F9F] =	sst s1;
	(tag) =	ssettag s2;
	_ =	strace s9  }
0x27: {  	s1 =	sld [smem:$0x3FAF]  }
0x28: {  	s2 =	sld [smem:$0x3FB0]  }
0x29: {  	s4 =	sld [smem:$0x3FB2]  }
0x2a: {  	p0 =	seq.s32 s5, $0x0;
	s5 =	sld [smem:$0x3FB3]  }
0x2b: {  	s6 =	sld [smem:$0x3FB4]  }
0x2c: {  	s7 =	sld [smem:$0x3FB5]  }
0x2d: {  	s3 =	simm.s32 $0x108;
	s8 =	sld [smem:$0x3FB6]  }
0x2e: {  	s3 =	simm.s32 @!p0 $0x1082;
	s9 =	sld [smem:$0x3FB7]  }
0x2f: {  	lr =	sadd.s32 s0, s3;
	s0 =	sld [smem:$0x3FAE]  }
0x30: {  	s3 =	sld [smem:$0x3FB1]  }
0x31: {  	[smem:$0x3FBA] =	sst s10  }
0x32: {  	s10 =	sld [smem:$0x3FB8];
	_ =	sdelay $0x3  }
0x33: {  	p0 =	seq.s32 s10, $0x1;
	s10 =	sld [smem:$0x3FBA];
	_ =	sdelay $0x3  }
0x34: {  	[smem:$0x3FBA] =	sst s10  }
0x35: {  	s10 =	sld [smem:$0x3FB9];
	_ =	sdelay $0x3  }
0x36: {  	p1 =	seq.s32 s10, $0x1;
	s10 =	sld [smem:$0x3FBA];
	_ =	sdelay $0x3  }
0x37: {  	[smem:$0x3FBA] =	sst s10  }
0x38: {  	s10 =	sld [smem:$0x3FBB]  }
0x39: {  	_ = 	snop;
	(pc) =	sbr.ind lr, $3  }
0x3a: {  	_ = 	snop  }
0x3b: {  	_ = 	snop  }
0x3c: {  	p2 =	seq.s32 s10, $0x1;
	s10 =	sld [smem:$0x3FBA]  }
0x3d: {  	_ =	shalt  }
0x3e: {  	_ =	shalt  }
0x3f: {  	_ =	shalt  }
0x40: {  	_ =	shalt  }
0x41: {  	_ =	shalt  }
0x42: {  	_ =	shalt  }
0x43: {  	_ =	shalt  }
0x44: {  	_ =	shalt  }
0x45: {  	_ =	shalt  }
0x46: {  	_ =	shalt  }
0x47: {  	_ =	shalt  }
0x48: {  	_ =	shalt  }
0x49: {  	_ =	shalt  }
0x4a: {  	_ =	shalt  }
0x4b: {  	_ =	shalt  }
0x4c: {  	_ =	shalt  }
0x4d: {  	_ =	shalt  }
0x4e: {  	_ =	shalt  }
0x4f: {  	_ =	shalt  }
0x50: {  	_ =	shalt  }
0x51: {  	_ =	shalt  }
0x52: {  	_ =	shalt  }
0x53: {  	_ =	shalt  }
0x54: {  	_ =	shalt  }
0x55: {  	_ =	shalt  }
0x56: {  	_ =	shalt  }
0x57: {  	_ =	shalt  }
0x58: {  	_ =	shalt  }
0x59: {  	_ =	shalt  }
0x5a: {  	_ =	shalt  }
0x5b: {  	_ =	shalt  }
0x5c: {  	_ =	shalt  }
0x5d: {  	_ =	shalt  }
0x5e: {  	_ =	shalt  }
0x5f: {  	_ =	shalt  }
0x60: {  	_ =	shalt  }
0x61: {  	_ =	shalt  }
0x62: {  	_ =	shalt  }
0x63: {  	_ =	shalt  }
0x64: {  	_ =	shalt  }
0x65: {  	_ =	shalt  }
0x66: {  	_ =	shalt  }
0x67: {  	_ =	shalt  }
0x68: {  	_ =	shalt  }
0x69: {  	_ =	shalt  }
0x6a: {  	_ =	shalt  }
0x6b: {  	_ =	shalt  }
0x6c: {  	_ =	shalt  }
0x6d: {  	_ =	shalt  }
0x6e: {  	_ =	shalt  }
0x6f: {  	_ =	shalt  }
0x70: {  	_ =	shalt  }
0x71: {  	_ =	shalt  }
0x72: {  	_ =	shalt  }
0x73: {  	_ =	shalt  }
0x74: {  	_ =	shalt  }
0x75: {  	_ =	shalt  }
0x76: {  	_ =	shalt  }
0x77: {  	_ =	shalt  }
0x78: {  	_ =	shalt  }
0x79: {  	_ =	shalt  }
0x7a: {  	_ =	shalt  }
0x7b: {  	_ =	shalt  }
0x7c: {  	_ =	shalt  }
0x7d: {  	_ =	shalt  }
0x7e: {  	_ =	shalt  }
0x7f: {  	_ =	shalt  }
0x80: {  	_ =	shalt  }
0x81: {  	_ =	shalt  }
0x82: {  	_ =	shalt  }
0x83: {  	_ =	shalt  }
0x84: {  	_ =	shalt  }
0x85: {  	_ =	shalt  }
0x86: {  	_ =	shalt  }
0x87: {  	_ =	shalt  }
.Lfunc_end0:
.L_simem_size_0:
called_computation_lowered:
.L_overlay_start_0:
0x88: {  	s2 =	sld [smem:$0x3FD9]  }
0x89: {  	s3 =	sld [smem:$0x3FFE];
	_ =	sdelay $0x1  }
0x8a: {  	s1 =	srdreg.scid  }
0x8b: {  	s0 =	sand.u32 $0x1, s1  }
0x8c: {  	s17 =	sshll.u32 s0, $0xA;
	s2 =	sadd.s32 s3, s2  }
0x8d: {  	s2 =	sadd.s32 s2, s17  }
0x8e: {  	[smem:$0x3FC6] =	sst s2  }
0x8f: {  	_ = 	snop  }
0x90: {  	s2 =	sld [smem:$0x3FC8]  }
0x91: {  	s18 =	sld [smem:$0x3FD0];
	(tm) =	ssettm $0x1  }
0x92: {  	s4 =	sld [smem:$0x3FFB];
	_ =	sdelay $0x3  }
0x93: {  	_ =	strace s4  }
0x94: {  	s4 =	sld [smem:$0x3FFC];
	_ =	sdelay $0x3  }
0x95: {  	_ =	strace s4  }
0x96: {  	s4 =	sld [smem:$0x3FFD];
	_ =	sdelay $0x3  }
0x97: {  	_ =	strace s4  }
0x98: {  	_ =	strace $0x8FFFFFFF  }
0x99: {  	s19 =	sld [smem:$0x3FDB];
	_ =	sdelay $0x1  }
0x9a: {  	s5 =	simm.s32 $_scs_section_size  }
0x9b: {  	s6 =	simm.s32 $_size__tile_overlayer_lowered;
	s7 =	simm.s32 $_tile_overlayer_lowered  }
0x9c: {  	s22 =	simm.s32 $0x1BFF;
	s21 =	sshll.u32 s7, $0x1;
	s4 =	sadd.s32 s5, s19  }
0x9d: {  	s8 =	simm.s32 $0x0;
	s20 =	sshll.u32 s6, $0x1;
	s6 =	sadd.s32 s21, s4  }
0x9e: {  	[timem:s8], [sflag:s22] =	dma.local [hbm:s6], s20  }
0x9f: {  	_ =	swait.ge [sflag:s22], s20  }
0xa0: {  	s5 =	ssub.s32 $0x0, s20;
	[sflag:s22] =	ssyncset.done $0x0  }
0xa1: {  	[sflag:s22] =	ssyncadd.s32 s5;
	_ =	sdelay $0x1  }
0xa2: {  	s23 =	simm.s32 $0x1B8B  }
0xa3: {  	_ =	swait.ge [sflag:s23], $0x1  }
0xa4: {  	[sflag:s23] =	ssyncset.done $0x0  }
0xa5: {  	s25 =	simm.s32 $0x1B8E;
	s24 =	sld [smem:$0x3FFE];
	[sflag:s23] =	ssyncadd.s32 $0xFFFFFFFF  }
0xa6: {  	s26 =	simm.s32 $execute0_lowered;
	[smem:$0x3FD2] =	sst s25  }
0xa7: {  	s6 =	sshll.u32 s26, $0x1;
	_ =	strace $0x80000046;
	[dreg:$0x1] =	wrdreg $0xFFFFFFFF  }
0xa8: {  	s28 =	simm.s32 $_size_execute0_lowered;
	s4 =	sadd.s32 s4, s6;
	[dreg:$0x0] =	wrdreg $0x0  }
0xa9: {  	s6 =	sshll.u32 s28, $0x1;
	[dreg:$0x2] =	wrdreg s4  }
0xaa: {  	[dreg:$0x3] =	wrdreg s6  }
0xab: {  	[dreg:$0x4] =	wrdreg $0xC0  }
0xac: {  	_ =	task [dreg:s8], $0x5FFFF  }
0xad: {  	[dreg:$0x1] =	wrdreg $0xFFFFFFFF  }
0xae: {  	[dreg:$0x0] =	wrdreg $0x60  }
0xaf: {  	[dreg:$0x2] =	wrdreg s24  }
0xb0: {  	[dreg:$0x3] =	wrdreg s2  }
0xb1: {  	[dreg:$0x4] =	wrdreg s18  }
0xb2: {  	[dreg:$0x5] =	wrdreg $0x9  }
0xb3: {  	_ =	task.clear_ibuf [dreg:s8], $0x6FFFF;
	_ =	strace $0x90000046  }
0xb4: {  	s29 =	simm.s32 $0x9;
	_ =	strace $0x80000048  }
0xb5: {  	_ =	swait.ge [sflag:s29], $0x1  }
0xb6: {  	[sflag:s29] =	ssyncadd.s32 $0xFFFFFFFF  }
0xb7: {  	_ =	strace $0x90000048  }
0xb8: {  	_ =	sfence  }
0xb9: {  	s30 =	sld [smem:$0x0];
	_ =	sdelay $0x2  }
0xba: {  	s31 =	sshll.u32 s1, $0xD;
	s1 =	sshrl.u32 s1, $0x2  }
0xbb: {  	s3 =	sand.u32 $0x4000, s31;
	s1 =	sadd.s32 s1, s30  }
0xbc: {  	s0 =	sor.u32 s3, s0;
	s1 =	sshll.u32 s1, $0x11  }
0xbd: {  	s0 =	sor.u32 s1, s0  }
0xbe: {  	s0 =	sadd.s32 $0x8F2B, s0  }
0xbf: {  	[sflag:s0] =	ssyncadd.remote.s32 $0x1  }
0xc0: {  	_ =	sfence.sel $0xFFFF  }
0xc1: {  	[dreg:$0x0] =	wrdreg $0xFFFFFFFF;
	(pc) =	sbr.abs _section_cstart, $3  }
0xc2: {  	[dreg:$0x1] =	wrdreg $0xFFFFFFFF  }
0xc3: {  	_ =	task.clear_ibuf [dreg:s8], $0x2FFFF;
	_ =	strace $0x9FFFFFFF  }
0xc4: {  	(tm) =	ssettm $0x7FFFFFFF  }
0xc5: {  	_ =	shalt  }
tec
execute0_lowered:
.L_overlay_start_1:
0x0: {  	(tag) =	ssettag $0x1  }
0x1: {  	s4 =	rddreg [dreg:$0x0]  }
0x2: {  	s2 =	rddreg [dreg:$0x1]  }
0x3: {  	s5 =	rddreg [dreg:$0x2]  }
0x4: {  	s3 =	srdreg.scid;
	s0 =	rddreg [dreg:$0x3]  }
0x5: {  	s1 =	stileid.u32;
	s6 =	sand.u32 $0x1, s3;
	s3 =	simm.s32 $0x0  }
0x6: {  	s7 =	sshll.u32 s1, $0xB;
	s31 =	sshll.u32 s1, $0x12;
	s8 =	sshll.u32 s6, $0xA  }
0x7: {  	[smem:$0x7FF] =	sst s3;
	s30 =	ssub.s32 $0x2, s6;
	s5 =	sadd.s32 s31, s5  }
0x8: {  	s6 =	sshll.u32 s6, $0x11;
	s7 =	sor.u32 s8, s7;
	_ =	strace $0x80000047  }
0x9: {  	s9 =	sshrl.u32 s30, $0x1;
	s6 =	sadd.s32 s6, s5;
	s8 =	simm.s32 $0x1  }
0xa: {  	s7 =	sshrl.u32 s7, $0x3;
	[dreg:$0x4] =	wrdreg s6;
	s6 =	simm.s32 $0x400  }
0xb: {  	s4 =	sadd.s32 s7, s4;
	s7 =	ssub.s32 s30, s9;
	s9 =	simm.s32 $0x0  }
0xc: {  	s4 =	sadd.s32 $0x400, s4;
	s5 =	smax.u32 s7, $0x1;
	s7 =	simm.s32 $0x2  }
.LBB2_1:
0xd: {  	[tilespmem:s6], [sflag:$0x2] =	stream.linear.gather [hbm4b:s2+s3], $0x800, $0x38;
	[tilespmem:$0xC00] =	vst v63  }
0xe: {  	_ =	swait.ge [sflag:s7], $0x800  }
0xf: {  	[sflag:s7] =	ssyncset.done $0x0  }
0x10: {  	[sflag:s7] =	ssyncadd.s32 $0xFFFFF800  }
0x11: {  	[tilespmem:s3], [sflag:$0x2] =	stream.linear.gather [hbm4b:s4+s3], $0x400, $0x38;
	[tilespmem:$0xC00] =	vst v63  }
0x12: {  	_ =	swait.ge [sflag:s7], $0x400  }
0x13: {  	[sflag:s7] =	ssyncset.done $0x0  }
0x14: {  	[sflag:s7] =	ssyncadd.s32 $0xFFFFFC00  }
0x15: {  	v0 =	vld [tilespmem:s3+$0x0];
	_ =	sdelay $0x4  }
0x16: {  	(v2sf) =	vpush v0, $0x0;
	_ =	sdelay $0xa  }
0x17: {  	(v2sf) =	vpush v0, $0x1;
	_ =	sdelay $0x3  }
0x18: {  	s11 =	spop (v2sf)  }
0x19: {  	s12 =	simm.s32 $0x80;
	p0 =	sgt.s32 s11, $0x0  }
0x1a: {  	s10 =	rddreg [dreg:$0x4];
	s12 =	simm.s32 @!p0 $0x0  }
0x1b: {  	s11 =	sadd.s32 $0x0, s10;
	s19 =	sor.u32 $0x400, s12  }
0x1c: {  	[hbm4b:s11+s3] =	stream.linear.scatter [tilespmem:s19], [sflag:$0x1], $0x80, $0x38;
	[tilespmem:$0xC00] =	vst v63  }
0x1d: {  	s13 =	sadd.s32 $0x80, s11;
	s20 =	sor.u32 $0x500, s12  }
0x1e: {  	[hbm4b:s13+s3] =	stream.linear.scatter [tilespmem:s20], [sflag:$0x1], $0x80, $0x38;
	[tilespmem:$0xC00] =	vst v63  }
0x1f: {  	s22 =	sadd.s32 $0x100, s11;
	s21 =	sor.u32 $0x600, s12  }
0x20: {  	[hbm4b:s22+s3] =	stream.linear.scatter [tilespmem:s21], [sflag:$0x1], $0x80, $0x38;
	[tilespmem:$0xC00] =	vst v63  }
0x21: {  	s24 =	sadd.s32 $0x180, s11;
	s23 =	sor.u32 $0x700, s12  }
0x22: {  	[hbm4b:s24+s3] =	stream.linear.scatter [tilespmem:s23], [sflag:$0x1], $0x80, $0x38;
	[tilespmem:$0xC00] =	vst v63  }
0x23: {  	s25 =	spop (v2sf);
	s14 =	sadd.s32 $0x200, s11;
	s26 =	sor.u32 $0x800, s12  }
0x24: {  	(v2sf) =	vpush v0, $0x2;
	[hbm4b:s14+s3] =	stream.linear.scatter [tilespmem:s26], [sflag:$0x1], $0x80, $0x38;
	[tilespmem:$0xC00] =	vst v63  }
0x25: {  	s10 =	simm.s32 $0x80;
	s29 =	sadd.s32 $0x280, s11;
	s28 =	sor.u32 $0x900, s12  }
0x26: {  	[hbm4b:s29+s3] =	stream.linear.scatter [tilespmem:s28], [sflag:$0x1], $0x80, $0x38;
	[tilespmem:$0xC00] =	vst v63  }
0x27: {  	p0 =	sgt.s32 s25, $0x0;
	s31 =	sadd.s32 $0x300, s11;
	s30 =	sor.u32 $0xA00, s12  }
0x28: {  	[hbm4b:s31+s3] =	stream.linear.scatter [tilespmem:s30], [sflag:$0x1], $0x80, $0x38;
	[tilespmem:$0xC00] =	vst v63  }
0x29: {  	s15 =	sadd.s32 $0x380, s11;
	s10 =	simm.s32 @!p0 $0x0;
	s12 =	sor.u32 $0xB00, s12  }
0x2a: {  	[hbm4b:s15+s3] =	stream.linear.scatter [tilespmem:s12], [sflag:$0x1], $0x80, $0x38;
	[tilespmem:$0xC00] =	vst v63  }
0x2b: {  	s16 =	sadd.s32 $0x10, s11;
	s17 =	sor.u32 $0x400, s10  }
0x2c: {  	[hbm4b:s16+s3] =	stream.linear.scatter [tilespmem:s17], [sflag:$0x1], $0x80, $0x38;
	[tilespmem:$0xC00] =	vst v63  }
0x2d: {  	s18 =	sor.u32 $0x500, s10;
	s19 =	sadd.s32 $0x90, s11  }
0x2e: {  	[hbm4b:s19+s3] =	stream.linear.scatter [tilespmem:s18], [sflag:$0x1], $0x80, $0x38;
	[tilespmem:$0xC00] =	vst v63  }
0x2f: {  	s20 =	sor.u32 $0x600, s10;
	s21 =	sadd.s32 $0x110, s11  }
0x30: {  	[hbm4b:s21+s3] =	stream.linear.scatter [tilespmem:s20], [sflag:$0x1], $0x80, $0x38;
	[tilespmem:$0xC00] =	vst v63  }
0x31: {  	s22 =	sor.u32 $0x700, s10;
	s23 =	sadd.s32 $0x190, s11  }
0x32: {  	[hbm4b:s23+s3] =	stream.linear.scatter [tilespmem:s22], [sflag:$0x1], $0x80, $0x38;
	[tilespmem:$0xC00] =	vst v63  }
0x33: {  	s25 =	sor.u32 $0x800, s10;
	s26 =	sadd.s32 $0x210, s11;
	s24 =	spop (v2sf)  }
0x34: {  	(v2sf) =	vpush v0, $0x3;
	[hbm4b:s26+s3] =	stream.linear.scatter [tilespmem:s25], [sflag:$0x1], $0x80, $0x38;
	[tilespmem:$0xC00] =	vst v63  }
0x35: {  	s28 =	sor.u32 $0x900, s10;
	s29 =	sadd.s32 $0x290, s11;
	s30 =	sor.u32 $0xA00, s10  }
0x36: {  	[hbm4b:s29+s3] =	stream.linear.scatter [tilespmem:s28], [sflag:$0x1], $0x80, $0x38;
	[tilespmem:$0xC00] =	vst v63  }
0x37: {  	s31 =	sadd.s32 $0x310, s11;
	p0 =	sgt.s32 s24, $0x0;
	s12 =	simm.s32 $0x80  }
0x38: {  	[hbm4b:s31+s3] =	stream.linear.scatter [tilespmem:s30], [sflag:$0x1], $0x80, $0x38;
	[tilespmem:$0xC00] =	vst v63  }
0x39: {  	s10 =	sor.u32 $0xB00, s10;
	s15 =	sadd.s32 $0x390, s11;
	s12 =	simm.s32 @!p0 $0x0  }
0x3a: {  	[hbm4b:s15+s3] =	stream.linear.scatter [tilespmem:s10], [sflag:$0x1], $0x80, $0x38;
	[tilespmem:$0xC00] =	vst v63  }
0x3b: {  	s16 =	sadd.s32 $0x20, s11;
	s17 =	sor.u32 $0x400, s12  }
0x3c: {  	[hbm4b:s16+s3] =	stream.linear.scatter [tilespmem:s17], [sflag:$0x1], $0x80, $0x38;
	[tilespmem:$0xC00] =	vst v63  }
0x3d: {  	s18 =	sor.u32 $0x500, s12;
	s19 =	sadd.s32 $0xA0, s11  }
0x3e: {  	[hbm4b:s19+s3] =	stream.linear.scatter [tilespmem:s18], [sflag:$0x1], $0x80, $0x38;
	[tilespmem:$0xC00] =	vst v63  }
0x3f: {  	s20 =	sor.u32 $0x600, s12;
	s21 =	sadd.s32 $0x120, s11  }
0x40: {  	[hbm4b:s21+s3] =	stream.linear.scatter [tilespmem:s20], [sflag:$0x1], $0x80, $0x38;
	[tilespmem:$0xC00] =	vst v63  }
0x41: {  	s22 =	sor.u32 $0x700, s12;
	s23 =	sadd.s32 $0x1A0, s11  }
0x42: {  	[hbm4b:s23+s3] =	stream.linear.scatter [tilespmem:s22], [sflag:$0x1], $0x80, $0x38;
	[tilespmem:$0xC00] =	vst v63  }
0x43: {  	s25 =	sor.u32 $0x800, s12;
	s26 =	sadd.s32 $0x220, s11;
	s24 =	spop (v2sf)  }
0x44: {  	(v2sf) =	vpush v0, $0x4;
	[hbm4b:s26+s3] =	stream.linear.scatter [tilespmem:s25], [sflag:$0x1], $0x80, $0x38;
	[tilespmem:$0xC00] =	vst v63  }
0x45: {  	s28 =	sor.u32 $0x900, s12;
	s29 =	sadd.s32 $0x2A0, s11;
	p0 =	sgt.s32 s24, $0x0  }
0x46: {  	[hbm4b:s29+s3] =	stream.linear.scatter [tilespmem:s28], [sflag:$0x1], $0x80, $0x38;
	[tilespmem:$0xC00] =	vst v63  }
0x47: {  	s30 =	sor.u32 $0xA00, s12;
	s31 =	sadd.s32 $0x320, s11;
	s10 =	simm.s32 $0x80  }
0x48: {  	[hbm4b:s31+s3] =	stream.linear.scatter [tilespmem:s30], [sflag:$0x1], $0x80, $0x38;
	[tilespmem:$0xC00] =	vst v63  }
0x49: {  	s12 =	sor.u32 $0xB00, s12;
	s15 =	sadd.s32 $0x3A0, s11;
	s10 =	simm.s32 @!p0 $0x0  }
0x4a: {  	[hbm4b:s15+s3] =	stream.linear.scatter [tilespmem:s12], [sflag:$0x1], $0x80, $0x38;
	[tilespmem:$0xC00] =	vst v63  }
0x4b: {  	s16 =	sadd.s32 $0x30, s11;
	s17 =	sor.u32 $0x400, s10  }
0x4c: {  	[hbm4b:s16+s3] =	stream.linear.scatter [tilespmem:s17], [sflag:$0x1], $0x80, $0x38;
	[tilespmem:$0xC00] =	vst v63  }
0x4d: {  	s18 =	sor.u32 $0x500, s10;
	s19 =	sadd.s32 $0xB0, s11  }
0x4e: {  	[hbm4b:s19+s3] =	stream.linear.scatter [tilespmem:s18], [sflag:$0x1], $0x80, $0x38;
	[tilespmem:$0xC00] =	vst v63  }
0x4f: {  	s20 =	sor.u32 $0x600, s10;
	s21 =	sadd.s32 $0x130, s11  }
0x50: {  	[hbm4b:s21+s3] =	stream.linear.scatter [tilespmem:s20], [sflag:$0x1], $0x80, $0x38;
	[tilespmem:$0xC00] =	vst v63  }
0x51: {  	s22 =	sor.u32 $0x700, s10;
	s23 =	sadd.s32 $0x1B0, s11  }
0x52: {  	[hbm4b:s23+s3] =	stream.linear.scatter [tilespmem:s22], [sflag:$0x1], $0x80, $0x38;
	[tilespmem:$0xC00] =	vst v63  }
0x53: {  	s25 =	sor.u32 $0x800, s10;
	s26 =	sadd.s32 $0x230, s11;
	s24 =	spop (v2sf)  }
0x54: {  	(v2sf) =	vpush v0, $0x5;
	[hbm4b:s26+s3] =	stream.linear.scatter [tilespmem:s25], [sflag:$0x1], $0x80, $0x38;
	[tilespmem:$0xC00] =	vst v63  }
0x55: {  	s28 =	sor.u32 $0x900, s10;
	s29 =	sadd.s32 $0x2B0, s11;
	p0 =	sgt.s32 s24, $0x0  }
0x56: {  	[hbm4b:s29+s3] =	stream.linear.scatter [tilespmem:s28], [sflag:$0x1], $0x80, $0x38;
	[tilespmem:$0xC00] =	vst v63  }
0x57: {  	s30 =	sor.u32 $0xA00, s10;
	s31 =	sadd.s32 $0x330, s11;
	s12 =	simm.s32 $0x80  }
0x58: {  	[hbm4b:s31+s3] =	stream.linear.scatter [tilespmem:s30], [sflag:$0x1], $0x80, $0x38;
	[tilespmem:$0xC00] =	vst v63  }
0x59: {  	s10 =	sor.u32 $0xB00, s10;
	s15 =	sadd.s32 $0x3B0, s11;
	s12 =	simm.s32 @!p0 $0x0  }
0x5a: {  	[hbm4b:s15+s3] =	stream.linear.scatter [tilespmem:s10], [sflag:$0x1], $0x80, $0x38;
	[tilespmem:$0xC00] =	vst v63  }
0x5b: {  	s16 =	sadd.s32 $0x40, s11;
	s17 =	sor.u32 $0x400, s12  }
0x5c: {  	[hbm4b:s16+s3] =	stream.linear.scatter [tilespmem:s17], [sflag:$0x1], $0x80, $0x38;
	[tilespmem:$0xC00] =	vst v63  }
0x5d: {  	s18 =	sor.u32 $0x500, s12;
	s19 =	sadd.s32 $0xC0, s11  }
0x5e: {  	[hbm4b:s19+s3] =	stream.linear.scatter [tilespmem:s18], [sflag:$0x1], $0x80, $0x38;
	[tilespmem:$0xC00] =	vst v63  }
0x5f: {  	s20 =	sor.u32 $0x600, s12;
	s21 =	sadd.s32 $0x140, s11  }
0x60: {  	[hbm4b:s21+s3] =	stream.linear.scatter [tilespmem:s20], [sflag:$0x1], $0x80, $0x38;
	[tilespmem:$0xC00] =	vst v63  }
0x61: {  	s22 =	sor.u32 $0x700, s12;
	s23 =	sadd.s32 $0x1C0, s11  }
0x62: {  	[hbm4b:s23+s3] =	stream.linear.scatter [tilespmem:s22], [sflag:$0x1], $0x80, $0x38;
	[tilespmem:$0xC00] =	vst v63  }
0x63: {  	s25 =	sor.u32 $0x800, s12;
	s26 =	sadd.s32 $0x240, s11;
	s24 =	spop (v2sf)  }
0x64: {  	(v2sf) =	vpush v0, $0x6;
	[hbm4b:s26+s3] =	stream.linear.scatter [tilespmem:s25], [sflag:$0x1], $0x80, $0x38;
	[tilespmem:$0xC00] =	vst v63  }
0x65: {  	p0 =	sgt.s32 s24, $0x0;
	s28 =	sor.u32 $0x900, s12;
	s29 =	sadd.s32 $0x2C0, s11  }
0x66: {  	[hbm4b:s29+s3] =	stream.linear.scatter [tilespmem:s28], [sflag:$0x1], $0x80, $0x38;
	[tilespmem:$0xC00] =	vst v63  }
0x67: {  	s30 =	sor.u32 $0xA00, s12;
	s31 =	sadd.s32 $0x340, s11;
	s10 =	simm.s32 $0x80  }
0x68: {  	[hbm4b:s31+s3] =	stream.linear.scatter [tilespmem:s30], [sflag:$0x1], $0x80, $0x38;
	[tilespmem:$0xC00] =	vst v63  }
0x69: {  	s12 =	sor.u32 $0xB00, s12;
	s15 =	sadd.s32 $0x3C0, s11;
	s10 =	simm.s32 @!p0 $0x0  }
0x6a: {  	[hbm4b:s15+s3] =	stream.linear.scatter [tilespmem:s12], [sflag:$0x1], $0x80, $0x38;
	[tilespmem:$0xC00] =	vst v63  }
0x6b: {  	s16 =	sadd.s32 $0x50, s11;
	s17 =	sor.u32 $0x400, s10  }
0x6c: {  	[hbm4b:s16+s3] =	stream.linear.scatter [tilespmem:s17], [sflag:$0x1], $0x80, $0x38;
	[tilespmem:$0xC00] =	vst v63  }
0x6d: {  	s18 =	sor.u32 $0x500, s10;
	s19 =	sadd.s32 $0xD0, s11  }
0x6e: {  	[hbm4b:s19+s3] =	stream.linear.scatter [tilespmem:s18], [sflag:$0x1], $0x80, $0x38;
	[tilespmem:$0xC00] =	vst v63  }
0x6f: {  	s20 =	sor.u32 $0x600, s10;
	s21 =	sadd.s32 $0x150, s11  }
0x70: {  	[hbm4b:s21+s3] =	stream.linear.scatter [tilespmem:s20], [sflag:$0x1], $0x80, $0x38;
	[tilespmem:$0xC00] =	vst v63  }
0x71: {  	s22 =	sor.u32 $0x700, s10;
	s23 =	sadd.s32 $0x1D0, s11  }
0x72: {  	[hbm4b:s23+s3] =	stream.linear.scatter [tilespmem:s22], [sflag:$0x1], $0x80, $0x38;
	[tilespmem:$0xC00] =	vst v63  }
0x73: {  	s24 =	spop (v2sf);
	s25 =	sor.u32 $0x800, s10;
	s26 =	sadd.s32 $0x250, s11  }
0x74: {  	(v2sf) =	vpush v0, $0x7;
	[hbm4b:s26+s3] =	stream.linear.scatter [tilespmem:s25], [sflag:$0x1], $0x80, $0x38;
	[tilespmem:$0xC00] =	vst v63  }
0x75: {  	p0 =	sgt.s32 s24, $0x0;
	s28 =	sor.u32 $0x900, s10;
	s29 =	sadd.s32 $0x2D0, s11  }
0x76: {  	[hbm4b:s29+s3] =	stream.linear.scatter [tilespmem:s28], [sflag:$0x1], $0x80, $0x38;
	[tilespmem:$0xC00] =	vst v63  }
0x77: {  	s30 =	sor.u32 $0xA00, s10;
	s31 =	sadd.s32 $0x350, s11;
	s12 =	simm.s32 $0x80  }
0x78: {  	[hbm4b:s31+s3] =	stream.linear.scatter [tilespmem:s30], [sflag:$0x1], $0x80, $0x38;
	[tilespmem:$0xC00] =	vst v63  }
0x79: {  	s10 =	sor.u32 $0xB00, s10;
	s15 =	sadd.s32 $0x3D0, s11;
	s12 =	simm.s32 @!p0 $0x0  }
0x7a: {  	[hbm4b:s15+s3] =	stream.linear.scatter [tilespmem:s10], [sflag:$0x1], $0x80, $0x38;
	[tilespmem:$0xC00] =	vst v63  }
0x7b: {  	s16 =	sadd.s32 $0x60, s11;
	s17 =	sor.u32 $0x400, s12  }
0x7c: {  	[hbm4b:s16+s3] =	stream.linear.scatter [tilespmem:s17], [sflag:$0x1], $0x80, $0x38;
	[tilespmem:$0xC00] =	vst v63  }
0x7d: {  	s18 =	sor.u32 $0x500, s12;
	s19 =	sadd.s32 $0xE0, s11  }
0x7e: {  	[hbm4b:s19+s3] =	stream.linear.scatter [tilespmem:s18], [sflag:$0x1], $0x80, $0x38;
	[tilespmem:$0xC00] =	vst v63  }
0x7f: {  	s20 =	sor.u32 $0x600, s12;
	s21 =	sadd.s32 $0x160, s11  }
0x80: {  	[hbm4b:s21+s3] =	stream.linear.scatter [tilespmem:s20], [sflag:$0x1], $0x80, $0x38;
	[tilespmem:$0xC00] =	vst v63  }
0x81: {  	s22 =	sor.u32 $0x700, s12;
	s23 =	sadd.s32 $0x1E0, s11  }
0x82: {  	[hbm4b:s23+s3] =	stream.linear.scatter [tilespmem:s22], [sflag:$0x1], $0x80, $0x38;
	[tilespmem:$0xC00] =	vst v63  }
0x83: {  	s24 =	spop (v2sf);
	s25 =	sor.u32 $0x800, s12;
	s26 =	sadd.s32 $0x260, s11  }
0x84: {  	(v2sf) =	vpush v0, $0x8;
	[hbm4b:s26+s3] =	stream.linear.scatter [tilespmem:s25], [sflag:$0x1], $0x80, $0x38;
	[tilespmem:$0xC00] =	vst v63  }
0x85: {  	p0 =	sgt.s32 s24, $0x0;
	s28 =	sor.u32 $0x900, s12;
	s29 =	sadd.s32 $0x2E0, s11  }
0x86: {  	[hbm4b:s29+s3] =	stream.linear.scatter [tilespmem:s28], [sflag:$0x1], $0x80, $0x38;
	[tilespmem:$0xC00] =	vst v63  }
0x87: {  	s30 =	sor.u32 $0xA00, s12;
	s31 =	sadd.s32 $0x360, s11;
	s10 =	simm.s32 $0x80  }
0x88: {  	[hbm4b:s31+s3] =	stream.linear.scatter [tilespmem:s30], [sflag:$0x1], $0x80, $0x38;
	[tilespmem:$0xC00] =	vst v63  }
0x89: {  	s12 =	sor.u32 $0xB00, s12;
	s15 =	sadd.s32 $0x3E0, s11;
	s10 =	simm.s32 @!p0 $0x0  }
0x8a: {  	[hbm4b:s15+s3] =	stream.linear.scatter [tilespmem:s12], [sflag:$0x1], $0x80, $0x38;
	[tilespmem:$0xC00] =	vst v63  }
0x8b: {  	s16 =	sadd.s32 $0x70, s11;
	s17 =	sor.u32 $0x400, s10  }
0x8c: {  	[hbm4b:s16+s3] =	stream.linear.scatter [tilespmem:s17], [sflag:$0x1], $0x80, $0x38;
	[tilespmem:$0xC00] =	vst v63  }
0x8d: {  	s18 =	sor.u32 $0x500, s10;
	s19 =	sadd.s32 $0xF0, s11  }
0x8e: {  	[hbm4b:s19+s3] =	stream.linear.scatter [tilespmem:s18], [sflag:$0x1], $0x80, $0x38;
	[tilespmem:$0xC00] =	vst v63  }
0x8f: {  	s20 =	sor.u32 $0x600, s10;
	s21 =	sadd.s32 $0x170, s11  }
0x90: {  	[hbm4b:s21+s3] =	stream.linear.scatter [tilespmem:s20], [sflag:$0x1], $0x80, $0x38;
	[tilespmem:$0xC00] =	vst v63  }
0x91: {  	s22 =	sor.u32 $0x700, s10;
	s23 =	sadd.s32 $0x1F0, s11  }
0x92: {  	[hbm4b:s23+s3] =	stream.linear.scatter [tilespmem:s22], [sflag:$0x1], $0x80, $0x38;
	[tilespmem:$0xC00] =	vst v63  }
0x93: {  	s24 =	sor.u32 $0x800, s10;
	s25 =	sadd.s32 $0x270, s11;
	s29 =	spop (v2sf)  }
0x94: {  	(v2sf) =	vpush v0, $0x9;
	[hbm4b:s25+s3] =	stream.linear.scatter [tilespmem:s24], [sflag:$0x1], $0x80, $0x38;
	[tilespmem:$0xC00] =	vst v63  }
0x95: {  	s26 =	sor.u32 $0x900, s10;
	s28 =	sadd.s32 $0x2F0, s11;
	p0 =	sgt.s32 s29, $0x0  }
0x96: {  	[hbm4b:s28+s3] =	stream.linear.scatter [tilespmem:s26], [sflag:$0x1], $0x80, $0x38;
	[tilespmem:$0xC00] =	vst v63  }
0x97: {  	s30 =	sor.u32 $0xA00, s10;
	s31 =	sadd.s32 $0x370, s11;
	s12 =	simm.s32 $0x80  }
0x98: {  	[hbm4b:s31+s3] =	stream.linear.scatter [tilespmem:s30], [sflag:$0x1], $0x80, $0x38;
	[tilespmem:$0xC00] =	vst v63  }
0x99: {  	s10 =	sor.u32 $0xB00, s10;
	s15 =	sadd.s32 $0x3F0, s11;
	s12 =	simm.s32 @!p0 $0x0  }
0x9a: {  	[hbm4b:s15+s3] =	stream.linear.scatter [tilespmem:s10], [sflag:$0x1], $0x80, $0x38;
	[tilespmem:$0xC00] =	vst v63  }
0x9b: {  	s16 =	sadd.s32 $0x400, s11;
	s17 =	sor.u32 $0x400, s12  }
0x9c: {  	[hbm4b:s16+s3] =	stream.linear.scatter [tilespmem:s17], [sflag:$0x1], $0x80, $0x38;
	[tilespmem:$0xC00] =	vst v63  }
0x9d: {  	s18 =	sor.u32 $0x500, s12;
	s19 =	sadd.s32 $0x480, s11  }
0x9e: {  	[hbm4b:s19+s3] =	stream.linear.scatter [tilespmem:s18], [sflag:$0x1], $0x80, $0x38;
	[tilespmem:$0xC00] =	vst v63  }
0x9f: {  	s20 =	sor.u32 $0x600, s12;
	s21 =	sadd.s32 $0x500, s11  }
0xa0: {  	[hbm4b:s21+s3] =	stream.linear.scatter [tilespmem:s20], [sflag:$0x1], $0x80, $0x38;
	[tilespmem:$0xC00] =	vst v63  }
0xa1: {  	s22 =	sor.u32 $0x700, s12;
	s23 =	sadd.s32 $0x580, s11  }
0xa2: {  	[hbm4b:s23+s3] =	stream.linear.scatter [tilespmem:s22], [sflag:$0x1], $0x80, $0x38;
	[tilespmem:$0xC00] =	vst v63  }
0xa3: {  	s24 =	spop (v2sf);
	s25 =	sor.u32 $0x800, s12;
	s26 =	sadd.s32 $0x600, s11  }
0xa4: {  	(v2sf) =	vpush v0, $0xA;
	[hbm4b:s26+s3] =	stream.linear.scatter [tilespmem:s25], [sflag:$0x1], $0x80, $0x38;
	[tilespmem:$0xC00] =	vst v63  }
0xa5: {  	s29 =	sadd.s32 $0x680, s11;
	p0 =	sgt.s32 s24, $0x0;
	s28 =	sor.u32 $0x900, s12  }
0xa6: {  	[hbm4b:s29+s3] =	stream.linear.scatter [tilespmem:s28], [sflag:$0x1], $0x80, $0x38;
	[tilespmem:$0xC00] =	vst v63  }
0xa7: {  	s30 =	sor.u32 $0xA00, s12;
	s31 =	sadd.s32 $0x700, s11;
	s10 =	simm.s32 $0x80  }
0xa8: {  	[hbm4b:s31+s3] =	stream.linear.scatter [tilespmem:s30], [sflag:$0x1], $0x80, $0x38;
	[tilespmem:$0xC00] =	vst v63  }
0xa9: {  	s12 =	sor.u32 $0xB00, s12;
	s15 =	sadd.s32 $0x780, s11;
	s10 =	simm.s32 @!p0 $0x0  }
0xaa: {  	[hbm4b:s15+s3] =	stream.linear.scatter [tilespmem:s12], [sflag:$0x1], $0x80, $0x38;
	[tilespmem:$0xC00] =	vst v63  }
0xab: {  	s16 =	sadd.s32 $0x410, s11;
	s17 =	sor.u32 $0x400, s10  }
0xac: {  	[hbm4b:s16+s3] =	stream.linear.scatter [tilespmem:s17], [sflag:$0x1], $0x80, $0x38;
	[tilespmem:$0xC00] =	vst v63  }
0xad: {  	s18 =	sor.u32 $0x500, s10;
	s19 =	sadd.s32 $0x490, s11  }
0xae: {  	[hbm4b:s19+s3] =	stream.linear.scatter [tilespmem:s18], [sflag:$0x1], $0x80, $0x38;
	[tilespmem:$0xC00] =	vst v63  }
0xaf: {  	s20 =	sor.u32 $0x600, s10;
	s21 =	sadd.s32 $0x510, s11  }
0xb0: {  	[hbm4b:s21+s3] =	stream.linear.scatter [tilespmem:s20], [sflag:$0x1], $0x80, $0x38;
	[tilespmem:$0xC00] =	vst v63  }
0xb1: {  	s22 =	sor.u32 $0x700, s10;
	s23 =	sadd.s32 $0x590, s11  }
0xb2: {  	[hbm4b:s23+s3] =	stream.linear.scatter [tilespmem:s22], [sflag:$0x1], $0x80, $0x38;
	[tilespmem:$0xC00] =	vst v63  }
0xb3: {  	s24 =	spop (v2sf);
	s25 =	sor.u32 $0x800, s10;
	s26 =	sadd.s32 $0x610, s11  }
0xb4: {  	(v2sf) =	vpush v0, $0xB;
	[hbm4b:s26+s3] =	stream.linear.scatter [tilespmem:s25], [sflag:$0x1], $0x80, $0x38;
	[tilespmem:$0xC00] =	vst v63  }
0xb5: {  	p0 =	sgt.s32 s24, $0x0;
	s28 =	sor.u32 $0x900, s10;
	s29 =	sadd.s32 $0x690, s11  }
0xb6: {  	[hbm4b:s29+s3] =	stream.linear.scatter [tilespmem:s28], [sflag:$0x1], $0x80, $0x38;
	[tilespmem:$0xC00] =	vst v63  }
0xb7: {  	s30 =	sor.u32 $0xA00, s10;
	s31 =	sadd.s32 $0x710, s11;
	s12 =	simm.s32 $0x80  }
0xb8: {  	[hbm4b:s31+s3] =	stream.linear.scatter [tilespmem:s30], [sflag:$0x1], $0x80, $0x38;
	[tilespmem:$0xC00] =	vst v63  }
0xb9: {  	s10 =	sor.u32 $0xB00, s10;
	s15 =	sadd.s32 $0x790, s11;
	s12 =	simm.s32 @!p0 $0x0  }
0xba: {  	[hbm4b:s15+s3] =	stream.linear.scatter [tilespmem:s10], [sflag:$0x1], $0x80, $0x38;
	[tilespmem:$0xC00] =	vst v63  }
0xbb: {  	s16 =	sadd.s32 $0x420, s11;
	s17 =	sor.u32 $0x400, s12  }
0xbc: {  	[hbm4b:s16+s3] =	stream.linear.scatter [tilespmem:s17], [sflag:$0x1], $0x80, $0x38;
	[tilespmem:$0xC00] =	vst v63  }
0xbd: {  	s18 =	sor.u32 $0x500, s12;
	s19 =	sadd.s32 $0x4A0, s11  }
0xbe: {  	[hbm4b:s19+s3] =	stream.linear.scatter [tilespmem:s18], [sflag:$0x1], $0x80, $0x38;
	[tilespmem:$0xC00] =	vst v63  }
0xbf: {  	s20 =	sor.u32 $0x600, s12;
	s21 =	sadd.s32 $0x520, s11  }
0xc0: {  	[hbm4b:s21+s3] =	stream.linear.scatter [tilespmem:s20], [sflag:$0x1], $0x80, $0x38;
	[tilespmem:$0xC00] =	vst v63  }
0xc1: {  	s22 =	sor.u32 $0x700, s12;
	s23 =	sadd.s32 $0x5A0, s11  }
0xc2: {  	[hbm4b:s23+s3] =	stream.linear.scatter [tilespmem:s22], [sflag:$0x1], $0x80, $0x38;
	[tilespmem:$0xC00] =	vst v63  }
0xc3: {  	s24 =	spop (v2sf);
	s25 =	sor.u32 $0x800, s12;
	s26 =	sadd.s32 $0x620, s11  }
0xc4: {  	(v2sf) =	vpush v0, $0xC;
	[hbm4b:s26+s3] =	stream.linear.scatter [tilespmem:s25], [sflag:$0x1], $0x80, $0x38;
	[tilespmem:$0xC00] =	vst v63  }
0xc5: {  	p0 =	sgt.s32 s24, $0x0;
	s28 =	sor.u32 $0x900, s12;
	s29 =	sadd.s32 $0x6A0, s11  }
0xc6: {  	[hbm4b:s29+s3] =	stream.linear.scatter [tilespmem:s28], [sflag:$0x1], $0x80, $0x38;
	[tilespmem:$0xC00] =	vst v63  }
0xc7: {  	s30 =	sor.u32 $0xA00, s12;
	s31 =	sadd.s32 $0x720, s11;
	s10 =	simm.s32 $0x80  }
0xc8: {  	[hbm4b:s31+s3] =	stream.linear.scatter [tilespmem:s30], [sflag:$0x1], $0x80, $0x38;
	[tilespmem:$0xC00] =	vst v63  }
0xc9: {  	s12 =	sor.u32 $0xB00, s12;
	s15 =	sadd.s32 $0x7A0, s11;
	s10 =	simm.s32 @!p0 $0x0  }
0xca: {  	[hbm4b:s15+s3] =	stream.linear.scatter [tilespmem:s12], [sflag:$0x1], $0x80, $0x38;
	[tilespmem:$0xC00] =	vst v63  }
0xcb: {  	s16 =	sadd.s32 $0x430, s11;
	s17 =	sor.u32 $0x400, s10  }
0xcc: {  	[hbm4b:s16+s3] =	stream.linear.scatter [tilespmem:s17], [sflag:$0x1], $0x80, $0x38;
	[tilespmem:$0xC00] =	vst v63  }
0xcd: {  	s18 =	sor.u32 $0x500, s10;
	s19 =	sadd.s32 $0x4B0, s11  }
0xce: {  	[hbm4b:s19+s3] =	stream.linear.scatter [tilespmem:s18], [sflag:$0x1], $0x80, $0x38;
	[tilespmem:$0xC00] =	vst v63  }
0xcf: {  	s20 =	sor.u32 $0x600, s10;
	s21 =	sadd.s32 $0x530, s11  }
0xd0: {  	[hbm4b:s21+s3] =	stream.linear.scatter [tilespmem:s20], [sflag:$0x1], $0x80, $0x38;
	[tilespmem:$0xC00] =	vst v63  }
0xd1: {  	s22 =	sor.u32 $0x700, s10;
	s23 =	sadd.s32 $0x5B0, s11  }
0xd2: {  	[hbm4b:s23+s3] =	stream.linear.scatter [tilespmem:s22], [sflag:$0x1], $0x80, $0x38;
	[tilespmem:$0xC00] =	vst v63  }
0xd3: {  	s24 =	spop (v2sf);
	s25 =	sor.u32 $0x800, s10;
	s26 =	sadd.s32 $0x630, s11  }
0xd4: {  	(v2sf) =	vpush v0, $0xD;
	[hbm4b:s26+s3] =	stream.linear.scatter [tilespmem:s25], [sflag:$0x1], $0x80, $0x38;
	[tilespmem:$0xC00] =	vst v63  }
0xd5: {  	p0 =	sgt.s32 s24, $0x0;
	s28 =	sor.u32 $0x900, s10;
	s29 =	sadd.s32 $0x6B0, s11  }
0xd6: {  	[hbm4b:s29+s3] =	stream.linear.scatter [tilespmem:s28], [sflag:$0x1], $0x80, $0x38;
	[tilespmem:$0xC00] =	vst v63  }
0xd7: {  	s30 =	sor.u32 $0xA00, s10;
	s31 =	sadd.s32 $0x730, s11;
	s12 =	simm.s32 $0x80  }
0xd8: {  	[hbm4b:s31+s3] =	stream.linear.scatter [tilespmem:s30], [sflag:$0x1], $0x80, $0x38;
	[tilespmem:$0xC00] =	vst v63  }
0xd9: {  	s10 =	sor.u32 $0xB00, s10;
	s15 =	sadd.s32 $0x7B0, s11;
	s12 =	simm.s32 @!p0 $0x0  }
0xda: {  	[hbm4b:s15+s3] =	stream.linear.scatter [tilespmem:s10], [sflag:$0x1], $0x80, $0x38;
	[tilespmem:$0xC00] =	vst v63  }
0xdb: {  	s16 =	sadd.s32 $0x440, s11;
	s17 =	sor.u32 $0x400, s12  }
0xdc: {  	[hbm4b:s16+s3] =	stream.linear.scatter [tilespmem:s17], [sflag:$0x1], $0x80, $0x38;
	[tilespmem:$0xC00] =	vst v63  }
0xdd: {  	s18 =	sor.u32 $0x500, s12;
	s19 =	sadd.s32 $0x4C0, s11  }
0xde: {  	[hbm4b:s19+s3] =	stream.linear.scatter [tilespmem:s18], [sflag:$0x1], $0x80, $0x38;
	[tilespmem:$0xC00] =	vst v63  }
0xdf: {  	s20 =	sor.u32 $0x600, s12;
	s21 =	sadd.s32 $0x540, s11  }
0xe0: {  	[hbm4b:s21+s3] =	stream.linear.scatter [tilespmem:s20], [sflag:$0x1], $0x80, $0x38;
	[tilespmem:$0xC00] =	vst v63  }
0xe1: {  	s22 =	sor.u32 $0x700, s12;
	s23 =	sadd.s32 $0x5C0, s11  }
0xe2: {  	[hbm4b:s23+s3] =	stream.linear.scatter [tilespmem:s22], [sflag:$0x1], $0x80, $0x38;
	[tilespmem:$0xC00] =	vst v63  }
0xe3: {  	s24 =	spop (v2sf);
	s25 =	sor.u32 $0x800, s12;
	s26 =	sadd.s32 $0x640, s11  }
0xe4: {  	(v2sf) =	vpush v0, $0xE;
	[hbm4b:s26+s3] =	stream.linear.scatter [tilespmem:s25], [sflag:$0x1], $0x80, $0x38;
	[tilespmem:$0xC00] =	vst v63  }
0xe5: {  	p0 =	sgt.s32 s24, $0x0;
	s28 =	sor.u32 $0x900, s12;
	s29 =	sadd.s32 $0x6C0, s11  }
0xe6: {  	[hbm4b:s29+s3] =	stream.linear.scatter [tilespmem:s28], [sflag:$0x1], $0x80, $0x38;
	[tilespmem:$0xC00] =	vst v63  }
0xe7: {  	s30 =	sor.u32 $0xA00, s12;
	s31 =	sadd.s32 $0x740, s11;
	s10 =	simm.s32 $0x80  }
0xe8: {  	[hbm4b:s31+s3] =	stream.linear.scatter [tilespmem:s30], [sflag:$0x1], $0x80, $0x38;
	[tilespmem:$0xC00] =	vst v63  }
0xe9: {  	s12 =	sor.u32 $0xB00, s12;
	s15 =	sadd.s32 $0x7C0, s11;
	s10 =	simm.s32 @!p0 $0x0  }
0xea: {  	[hbm4b:s15+s3] =	stream.linear.scatter [tilespmem:s12], [sflag:$0x1], $0x80, $0x38;
	[tilespmem:$0xC00] =	vst v63  }
0xeb: {  	s16 =	sadd.s32 $0x450, s11;
	s17 =	sor.u32 $0x400, s10  }
0xec: {  	[hbm4b:s16+s3] =	stream.linear.scatter [tilespmem:s17], [sflag:$0x1], $0x80, $0x38;
	[tilespmem:$0xC00] =	vst v63  }
0xed: {  	s18 =	sor.u32 $0x500, s10;
	s19 =	sadd.s32 $0x4D0, s11  }
0xee: {  	[hbm4b:s19+s3] =	stream.linear.scatter [tilespmem:s18], [sflag:$0x1], $0x80, $0x38;
	[tilespmem:$0xC00] =	vst v63  }
0xef: {  	s20 =	sor.u32 $0x600, s10;
	s21 =	sadd.s32 $0x550, s11  }
0xf0: {  	[hbm4b:s21+s3] =	stream.linear.scatter [tilespmem:s20], [sflag:$0x1], $0x80, $0x38;
	[tilespmem:$0xC00] =	vst v63  }
0xf1: {  	s22 =	sor.u32 $0x700, s10;
	s23 =	sadd.s32 $0x5D0, s11  }
0xf2: {  	[hbm4b:s23+s3] =	stream.linear.scatter [tilespmem:s22], [sflag:$0x1], $0x80, $0x38;
	[tilespmem:$0xC00] =	vst v63  }
0xf3: {  	s24 =	spop (v2sf);
	s25 =	sor.u32 $0x800, s10;
	s26 =	sadd.s32 $0x650, s11  }
0xf4: {  	[hbm4b:s26+s3] =	stream.linear.scatter [tilespmem:s25], [sflag:$0x1], $0x80, $0x38;
	[tilespmem:$0xC00] =	vst v63  }
0xf5: {  	p0 =	sgt.s32 s24, $0x0;
	s28 =	sor.u32 $0x900, s10;
	s29 =	sadd.s32 $0x6D0, s11  }
0xf6: {  	(v2sf) =	vpush v0, $0xF;
	[hbm4b:s29+s3] =	stream.linear.scatter [tilespmem:s28], [sflag:$0x1], $0x80, $0x38;
	[tilespmem:$0xC00] =	vst v63  }
0xf7: {  	s30 =	sor.u32 $0xA00, s10;
	s31 =	sadd.s32 $0x750, s11;
	s12 =	simm.s32 $0x80  }
0xf8: {  	[hbm4b:s31+s3] =	stream.linear.scatter [tilespmem:s30], [sflag:$0x1], $0x80, $0x38;
	[tilespmem:$0xC00] =	vst v63  }
0xf9: {  	s10 =	sor.u32 $0xB00, s10;
	s15 =	sadd.s32 $0x7D0, s11;
	s12 =	simm.s32 @!p0 $0x0  }
0xfa: {  	[hbm4b:s15+s3] =	stream.linear.scatter [tilespmem:s10], [sflag:$0x1], $0x80, $0x38;
	[tilespmem:$0xC00] =	vst v63  }
0xfb: {  	s16 =	sadd.s32 $0x460, s11;
	s17 =	sor.u32 $0x400, s12  }
0xfc: {  	[hbm4b:s16+s3] =	stream.linear.scatter [tilespmem:s17], [sflag:$0x1], $0x80, $0x38;
	[tilespmem:$0xC00] =	vst v63  }
0xfd: {  	s18 =	sor.u32 $0x500, s12;
	s19 =	sadd.s32 $0x4E0, s11  }
0xfe: {  	[hbm4b:s19+s3] =	stream.linear.scatter [tilespmem:s18], [sflag:$0x1], $0x80, $0x38;
	[tilespmem:$0xC00] =	vst v63  }
0xff: {  	s20 =	sor.u32 $0x600, s12;
	s21 =	sadd.s32 $0x560, s11  }
0x100: {  	[hbm4b:s21+s3] =	stream.linear.scatter [tilespmem:s20], [sflag:$0x1], $0x80, $0x38;
	[tilespmem:$0xC00] =	vst v63  }
0x101: {  	s22 =	sor.u32 $0x700, s12;
	s23 =	sadd.s32 $0x5E0, s11  }
0x102: {  	[hbm4b:s23+s3] =	stream.linear.scatter [tilespmem:s22], [sflag:$0x1], $0x80, $0x38;
	[tilespmem:$0xC00] =	vst v63  }
0x103: {  	s13 =	simm.s32 $0x80;
	s25 =	sor.u32 $0x800, s12;
	s26 =	sadd.s32 $0x660, s11  }
0x104: {  	[hbm4b:s26+s3] =	stream.linear.scatter [tilespmem:s25], [sflag:$0x1], $0x80, $0x38;
	[tilespmem:$0xC00] =	vst v63  }
0x105: {  	s24 =	spop (v2sf);
	s28 =	sor.u32 $0x900, s12;
	s29 =	sadd.s32 $0x6E0, s11  }
0x106: {  	[hbm4b:s29+s3] =	stream.linear.scatter [tilespmem:s28], [sflag:$0x1], $0x80, $0x38;
	[tilespmem:$0xC00] =	vst v63  }
0x107: {  	p0 =	sgt.s32 s24, $0x0;
	s30 =	sor.u32 $0xA00, s12;
	s31 =	sadd.s32 $0x760, s11  }
0x108: {  	[hbm4b:s31+s3] =	stream.linear.scatter [tilespmem:s30], [sflag:$0x1], $0x80, $0x38;
	[tilespmem:$0xC00] =	vst v63  }
0x109: {  	s13 =	simm.s32 @!p0 $0x0;
	s15 =	sor.u32 $0xB00, s12;
	s16 =	sadd.s32 $0x7E0, s11  }
0x10a: {  	[hbm4b:s16+s3] =	stream.linear.scatter [tilespmem:s15], [sflag:$0x1], $0x80, $0x38;
	[tilespmem:$0xC00] =	vst v63  }
0x10b: {  	s17 =	sadd.s32 $0x470, s11;
	s18 =	sor.u32 $0x400, s13  }
0x10c: {  	[hbm4b:s17+s3] =	stream.linear.scatter [tilespmem:s18], [sflag:$0x1], $0x80, $0x38;
	[tilespmem:$0xC00] =	vst v63  }
0x10d: {  	s19 =	sor.u32 $0x500, s13;
	s20 =	sadd.s32 $0x4F0, s11  }
0x10e: {  	[hbm4b:s20+s3] =	stream.linear.scatter [tilespmem:s19], [sflag:$0x1], $0x80, $0x38;
	[tilespmem:$0xC00] =	vst v63  }
0x10f: {  	s21 =	sor.u32 $0x600, s13;
	s22 =	sadd.s32 $0x570, s11  }
0x110: {  	[hbm4b:s22+s3] =	stream.linear.scatter [tilespmem:s21], [sflag:$0x1], $0x80, $0x38;
	[tilespmem:$0xC00] =	vst v63  }
0x111: {  	s24 =	sadd.s32 $0x5F0, s11;
	s10 =	simm.s32 $0x800;
	s23 =	sor.u32 $0x700, s13  }
0x112: {  	[hbm4b:s24+s3] =	stream.linear.scatter [tilespmem:s23], [sflag:$0x1], $0x80, $0x38;
	[tilespmem:$0xC00] =	vst v63  }
0x113: {  	s12 =	sadd.s32 $0x7F0, s11;
	s25 =	sor.u32 $0x800, s13;
	s26 =	sadd.s32 $0x670, s11  }
0x114: {  	[hbm4b:s26+s3] =	stream.linear.scatter [tilespmem:s25], [sflag:$0x1], $0x80, $0x38;
	[tilespmem:$0xC00] =	vst v63  }
0x115: {  	s28 =	sor.u32 $0x900, s13;
	s29 =	sadd.s32 $0x6F0, s11;
	s30 =	sor.u32 $0xA00, s13  }
0x116: {  	[hbm4b:s29+s3] =	stream.linear.scatter [tilespmem:s28], [sflag:$0x1], $0x80, $0x38;
	[tilespmem:$0xC00] =	vst v63  }
0x117: {  	s31 =	sadd.s32 $0x770, s11;
	s13 =	sor.u32 $0xB00, s13;
	s11 =	simm.s32 $0x10  }
0x118: {  	[hbm4b:s31+s3] =	stream.linear.scatter [tilespmem:s30], [sflag:$0x1], $0x80, $0x38;
	[tilespmem:$0xC00] =	vst v63  }
.LBB2_2:
0x119: {  	[hbm4b:s12+s3] =	stream.linear.scatter [tilespmem:s13], [sflag:$0x1], $0x80, $0x38;
	[tilespmem:$0xC00] =	vst v63  }
0x11a: {  	v0 =	vld [tilespmem:s11+$0x0];
	_ =	sdelay $0x4  }
0x11b: {  	(v2sf) =	vpush v0, $0x0  }
0x11c: {  	(v2sf) =	vpush v0, $0x1  }
0x11d: {  	(v2sf) =	vpush v0, $0x2;
	_ =	sdelay $0x7  }
0x11e: {  	(v2sf) =	vpush v0, $0x3;
	_ =	sdelay $0x1  }
0x11f: {  	s25 =	smov.u32 s10;
	s26 =	rddreg [dreg:$0x4];
	s17 =	simm.s32 $0x80  }
0x120: {  	s16 =	simm.s32 $0x80;
	s13 =	simm.s32 $0x80;
	s12 =	sadd.s32 s25, s26  }
0x121: {  	s15 =	sadd.s32 $0x80, s12;
	s18 =	sadd.s32 $0x100, s12;
	s20 =	sadd.s32 $0x180, s12  }
0x122: {  	s22 =	sadd.s32 $0x200, s12;
	s24 =	sadd.s32 $0x280, s12;
	s14 =	spop (v2sf)  }
0x123: {  	s26 =	sadd.s32 $0x300, s12;
	(v2sf) =	vpush v0, $0x4;
	p1 =	sgt.s32 s14, $0x0;
	s28 =	spop (v2sf)  }
0x124: {  	s17 =	simm.s32 @!p1 $0x0;
	p1 =	sgt.s32 s28, $0x0;
	s29 =	spop (v2sf)  }
0x125: {  	s30 =	sor.u32 $0x400, s17;
	s16 =	simm.s32 @!p1 $0x0;
	s31 =	sor.u32 $0x500, s17  }
0x126: {  	p1 =	sgt.s32 s29, $0x0;
	s14 =	sor.u32 $0x600, s17;
	s19 =	sor.u32 $0x700, s17  }
0x127: {  	(v2sf) =	vpush v0, $0x5;
	[hbm4b:s12+s3] =	stream.linear.scatter [tilespmem:s30], [sflag:$0x1], $0x80, $0x38;
	[tilespmem:$0xC00] =	vst v63  }
0x128: {  	s21 =	sor.u32 $0x800, s17;
	s23 =	sor.u32 $0x900, s17;
	s25 =	sor.u32 $0xA00, s17  }
0x129: {  	[hbm4b:s15+s3] =	stream.linear.scatter [tilespmem:s31], [sflag:$0x1], $0x80, $0x38;
	[tilespmem:$0xC00] =	vst v63  }
0x12a: {  	s28 =	sor.u32 $0xB00, s17;
	s29 =	sadd.s32 $0x380, s12;
	s17 =	simm.s32 $0x80  }
0x12b: {  	[hbm4b:s18+s3] =	stream.linear.scatter [tilespmem:s14], [sflag:$0x1], $0x80, $0x38;
	[tilespmem:$0xC00] =	vst v63  }
0x12c: {  	s30 =	sadd.s32 $0x10, s12;
	s15 =	simm.s32 $0x80;
	s18 =	spop (v2sf)  }
0x12d: {  	[hbm4b:s20+s3] =	stream.linear.scatter [tilespmem:s19], [sflag:$0x1], $0x80, $0x38;
	[tilespmem:$0xC00] =	vst v63  }
0x12e: {  	s15 =	simm.s32 @!p1 $0x0;
	s14 =	simm.s32 $0x80;
	p1 =	sgt.s32 s18, $0x0  }
0x12f: {  	(v2sf) =	vpush v0, $0x6;
	[hbm4b:s22+s3] =	stream.linear.scatter [tilespmem:s21], [sflag:$0x1], $0x80, $0x38;
	[tilespmem:$0xC00] =	vst v63  }
0x130: {  	s31 =	sor.u32 $0x400, s16;
	s18 =	sor.u32 $0xA00, s16;
	s14 =	simm.s32 @!p1 $0x0  }
0x131: {  	[hbm4b:s24+s3] =	stream.linear.scatter [tilespmem:s23], [sflag:$0x1], $0x80, $0x38;
	[tilespmem:$0xC00] =	vst v63  }
0x132: {  	s20 =	sadd.s32 $0x90, s12;
	s22 =	sor.u32 $0x600, s16;
	s19 =	spop (v2sf)  }
0x133: {  	[hbm4b:s26+s3] =	stream.linear.scatter [tilespmem:s25], [sflag:$0x1], $0x80, $0x38;
	[tilespmem:$0xC00] =	vst v63  }
0x134: {  	s23 =	sadd.s32 $0x110, s12;
	s24 =	sor.u32 $0x700, s16;
	p1 =	sgt.s32 s19, $0x0  }
0x135: {  	(v2sf) =	vpush v0, $0x7;
	[hbm4b:s29+s3] =	stream.linear.scatter [tilespmem:s28], [sflag:$0x1], $0x80, $0x38;
	[tilespmem:$0xC00] =	vst v63  }
0x136: {  	s19 =	sor.u32 $0x500, s16;
	s25 =	sadd.s32 $0x190, s12;
	s21 =	spop (v2sf)  }
0x137: {  	[hbm4b:s30+s3] =	stream.linear.scatter [tilespmem:s31], [sflag:$0x1], $0x80, $0x38;
	[tilespmem:$0xC00] =	vst v63  }
0x138: {  	s26 =	sor.u32 $0x800, s16;
	s13 =	simm.s32 @!p1 $0x0;
	p1 =	sgt.s32 s21, $0x0  }
0x139: {  	(v2sf) =	vpush v0, $0x8;
	[hbm4b:s20+s3] =	stream.linear.scatter [tilespmem:s19], [sflag:$0x1], $0x80, $0x38;
	[tilespmem:$0xC00] =	vst v63  }
0x13a: {  	s28 =	sadd.s32 $0x210, s12;
	s21 =	simm.s32 $0x80;
	s30 =	sor.u32 $0x900, s16  }
0x13b: {  	[hbm4b:s23+s3] =	stream.linear.scatter [tilespmem:s22], [sflag:$0x1], $0x80, $0x38;
	[tilespmem:$0xC00] =	vst v63  }
0x13c: {  	s31 =	sadd.s32 $0x290, s12;
	s16 =	sor.u32 $0xB00, s16;
	s19 =	sadd.s32 $0x310, s12  }
0x13d: {  	[hbm4b:s25+s3] =	stream.linear.scatter [tilespmem:s24], [sflag:$0x1], $0x80, $0x38;
	[tilespmem:$0xC00] =	vst v63  }
0x13e: {  	s20 =	sadd.s32 $0x390, s12;
	s29 =	spop (v2sf);
	s22 =	simm.s32 $0x80  }
0x13f: {  	(v2sf) =	vpush v0, $0x9;
	[hbm4b:s28+s3] =	stream.linear.scatter [tilespmem:s26], [sflag:$0x1], $0x80, $0x38;
	[tilespmem:$0xC00] =	vst v63  }
0x140: {  	s22 =	simm.s32 @!p1 $0x0;
	p1 =	sgt.s32 s29, $0x0;
	s29 =	sor.u32 $0x600, s15  }
0x141: {  	[hbm4b:s31+s3] =	stream.linear.scatter [tilespmem:s30], [sflag:$0x1], $0x80, $0x38;
	[tilespmem:$0xC00] =	vst v63  }
0x142: {  	s21 =	simm.s32 @!p1 $0x0;
	s24 =	sadd.s32 $0x20, s12;
	s25 =	sor.u32 $0x400, s15  }
0x143: {  	[hbm4b:s19+s3] =	stream.linear.scatter [tilespmem:s18], [sflag:$0x1], $0x80, $0x38;
	[tilespmem:$0xC00] =	vst v63  }
0x144: {  	s26 =	sor.u32 $0x500, s15;
	s28 =	sadd.s32 $0xA0, s12;
	s23 =	spop (v2sf)  }
0x145: {  	(v2sf) =	vpush v0, $0xA;
	[hbm4b:s20+s3] =	stream.linear.scatter [tilespmem:s16], [sflag:$0x1], $0x80, $0x38;
	[tilespmem:$0xC00] =	vst v63  }
0x146: {  	s30 =	sadd.s32 $0x120, s12;
	p1 =	sgt.s32 s23, $0x0;
	s23 =	sadd.s32 $0x1A0, s12  }
0x147: {  	[hbm4b:s24+s3] =	stream.linear.scatter [tilespmem:s25], [sflag:$0x1], $0x80, $0x38;
	[tilespmem:$0xC00] =	vst v63  }
0x148: {  	s31 =	spop (v2sf);
	s19 =	sor.u32 $0x700, s15;
	s20 =	simm.s32 $0x80  }
0x149: {  	[hbm4b:s28+s3] =	stream.linear.scatter [tilespmem:s26], [sflag:$0x1], $0x80, $0x38;
	[tilespmem:$0xC00] =	vst v63  }
0x14a: {  	s18 =	sadd.s32 $0x3A0, s12;
	s16 =	sor.u32 $0x700, s14;
	s20 =	simm.s32 @!p1 $0x0  }
0x14b: {  	(v2sf) =	vpush v0, $0xB;
	[hbm4b:s30+s3] =	stream.linear.scatter [tilespmem:s29], [sflag:$0x1], $0x80, $0x38;
	[tilespmem:$0xC00] =	vst v63  }
0x14c: {  	p1 =	sgt.s32 s31, $0x0;
	s31 =	sadd.s32 $0x320, s12;
	s24 =	sor.u32 $0x800, s15  }
0x14d: {  	[hbm4b:s23+s3] =	stream.linear.scatter [tilespmem:s19], [sflag:$0x1], $0x80, $0x38;
	[tilespmem:$0xC00] =	vst v63  }
0x14e: {  	s25 =	sadd.s32 $0x220, s12;
	s26 =	spop (v2sf);
	s28 =	sor.u32 $0x900, s15  }
0x14f: {  	[hbm4b:s25+s3] =	stream.linear.scatter [tilespmem:s24], [sflag:$0x1], $0x80, $0x38;
	[tilespmem:$0xC00] =	vst v63  }
0x150: {  	p2 =	sgt.s32 s26, $0x0;
	s26 =	sor.u32 $0x500, s14;
	s29 =	sadd.s32 $0x2A0, s12  }
0x151: {  	[hbm4b:s29+s3] =	stream.linear.scatter [tilespmem:s28], [sflag:$0x1], $0x80, $0x38;
	[tilespmem:$0xC00] =	vst v63  }
0x152: {  	s30 =	sor.u32 $0xA00, s15;
	s15 =	sor.u32 $0xB00, s15;
	s19 =	simm.s32 $0x80  }
0x153: {  	(v2sf) =	vpush v0, $0xC;
	[hbm4b:s31+s3] =	stream.linear.scatter [tilespmem:s30], [sflag:$0x1], $0x80, $0x38;
	[tilespmem:$0xC00] =	vst v63  }
0x154: {  	s19 =	simm.s32 @!p2 $0x0;
	s24 =	sadd.s32 $0x30, s12;
	s23 =	spop (v2sf)  }
0x155: {  	[hbm4b:s18+s3] =	stream.linear.scatter [tilespmem:s15], [sflag:$0x1], $0x80, $0x38;
	[tilespmem:$0xC00] =	vst v63  }
0x156: {  	s25 =	sor.u32 $0x400, s14;
	p2 =	sgt.s32 s23, $0x0;
	s28 =	sadd.s32 $0xB0, s12  }
0x157: {  	(v2sf) =	vpush v0, $0xD;
	[hbm4b:s24+s3] =	stream.linear.scatter [tilespmem:s25], [sflag:$0x1], $0x80, $0x38;
	[tilespmem:$0xC00] =	vst v63  }
0x158: {  	s29 =	sor.u32 $0x600, s14;
	s23 =	sadd.s32 $0x1B0, s12;
	s30 =	sadd.s32 $0x130, s12  }
0x159: {  	[hbm4b:s28+s3] =	stream.linear.scatter [tilespmem:s26], [sflag:$0x1], $0x80, $0x38;
	[tilespmem:$0xC00] =	vst v63  }
0x15a: {  	s31 =	spop (v2sf);
	s18 =	simm.s32 $0x80;
	s15 =	sadd.s32 $0x40, s12  }
0x15b: {  	(v2sf) =	vpush v0, $0xE;
	[hbm4b:s30+s3] =	stream.linear.scatter [tilespmem:s29], [sflag:$0x1], $0x80, $0x38;
	[tilespmem:$0xC00] =	vst v63  }
0x15c: {  	s18 =	simm.s32 @!p2 $0x0;
	p2 =	sgt.s32 s31, $0x0;
	s31 =	sadd.s32 $0x3B0, s12  }
0x15d: {  	[hbm4b:s23+s3] =	stream.linear.scatter [tilespmem:s16], [sflag:$0x1], $0x80, $0x38;
	[tilespmem:$0xC00] =	vst v63  }
0x15e: {  	s24 =	sor.u32 $0x800, s14;
	s25 =	sadd.s32 $0x230, s12;
	s17 =	simm.s32 @!p2 $0x0  }
0x15f: {  	[hbm4b:s25+s3] =	stream.linear.scatter [tilespmem:s24], [sflag:$0x1], $0x80, $0x38;
	[tilespmem:$0xC00] =	vst v63  }
0x160: {  	s26 =	sor.u32 $0x900, s14;
	s28 =	sadd.s32 $0x2B0, s12;
	s29 =	sor.u32 $0xA00, s14  }
0x161: {  	[hbm4b:s28+s3] =	stream.linear.scatter [tilespmem:s26], [sflag:$0x1], $0x80, $0x38;
	[tilespmem:$0xC00] =	vst v63  }
0x162: {  	s30 =	sadd.s32 $0x330, s12;
	s14 =	sor.u32 $0xB00, s14;
	s23 =	spop (v2sf)  }
0x163: {  	[hbm4b:s30+s3] =	stream.linear.scatter [tilespmem:s29], [sflag:$0x1], $0x80, $0x38;
	[tilespmem:$0xC00] =	vst v63  }
0x164: {  	s16 =	simm.s32 $0x80;
	p2 =	sgt.s32 s23, $0x0;
	s23 =	sor.u32 $0x400, s13  }
0x165: {  	(v2sf) =	vpush v0, $0xF;
	[hbm4b:s31+s3] =	stream.linear.scatter [tilespmem:s14], [sflag:$0x1], $0x80, $0x38;
	[tilespmem:$0xC00] =	vst v63  }
0x166: {  	s16 =	simm.s32 @!p2 $0x0;
	s24 =	spop (v2sf);
	s25 =	sor.u32 $0x500, s13  }
0x167: {  	[hbm4b:s15+s3] =	stream.linear.scatter [tilespmem:s23], [sflag:$0x1], $0x80, $0x38;
	[tilespmem:$0xC00] =	vst v63  }
0x168: {  	p2 =	sgt.s32 s24, $0x0;
	s26 =	sadd.s32 $0xC0, s12;
	s28 =	sor.u32 $0x600, s13  }
0x169: {  	[hbm4b:s26+s3] =	stream.linear.scatter [tilespmem:s25], [sflag:$0x1], $0x80, $0x38;
	[tilespmem:$0xC00] =	vst v63  }
0x16a: {  	s24 =	spop (v2sf);
	s29 =	sadd.s32 $0x140, s12;
	s30 =	sor.u32 $0x700, s13  }
0x16b: {  	[hbm4b:s29+s3] =	stream.linear.scatter [tilespmem:s28], [sflag:$0x1], $0x80, $0x38;
	[tilespmem:$0xC00] =	vst v63  }
0x16c: {  	s31 =	sadd.s32 $0x1C0, s12;
	s14 =	simm.s32 $0x80;
	s15 =	simm.s32 $0x80  }
0x16d: {  	[hbm4b:s31+s3] =	stream.linear.scatter [tilespmem:s30], [sflag:$0x1], $0x80, $0x38;
	[tilespmem:$0xC00] =	vst v63  }
0x16e: {  	s15 =	simm.s32 @!p2 $0x0;
	s25 =	sor.u32 $0x800, s13;
	s26 =	sadd.s32 $0x240, s12  }
0x16f: {  	[hbm4b:s26+s3] =	stream.linear.scatter [tilespmem:s25], [sflag:$0x1], $0x80, $0x38;
	[tilespmem:$0xC00] =	vst v63  }
0x170: {  	p2 =	sgt.s32 s24, $0x0;
	s28 =	sor.u32 $0x900, s13;
	s29 =	sadd.s32 $0x2C0, s12  }
0x171: {  	[hbm4b:s29+s3] =	stream.linear.scatter [tilespmem:s28], [sflag:$0x1], $0x80, $0x38;
	[tilespmem:$0xC00] =	vst v63  }
0x172: {  	s24 =	sadd.s32 $0x3C0, s12;
	s30 =	sor.u32 $0xA00, s13;
	s31 =	sadd.s32 $0x340, s12  }
0x173: {  	[hbm4b:s31+s3] =	stream.linear.scatter [tilespmem:s30], [sflag:$0x1], $0x80, $0x38;
	[tilespmem:$0xC00] =	vst v63  }
0x174: {  	s14 =	simm.s32 @!p2 $0x0;
	s13 =	sor.u32 $0xB00, s13;
	s25 =	spop (v2sf)  }
0x175: {  	[hbm4b:s24+s3] =	stream.linear.scatter [tilespmem:s13], [sflag:$0x1], $0x80, $0x38;
	[tilespmem:$0xC00] =	vst v63  }
0x176: {  	s26 =	sor.u32 $0x400, s22;
	p2 =	sgt.s32 s25, $0x0;
	s25 =	sadd.s32 $0x50, s12  }
0x177: {  	[hbm4b:s25+s3] =	stream.linear.scatter [tilespmem:s26], [sflag:$0x1], $0x80, $0x38;
	[tilespmem:$0xC00] =	vst v63  }
0x178: {  	s28 =	sor.u32 $0x500, s22;
	s29 =	sadd.s32 $0xD0, s12  }
0x179: {  	[hbm4b:s29+s3] =	stream.linear.scatter [tilespmem:s28], [sflag:$0x1], $0x80, $0x38;
	[tilespmem:$0xC00] =	vst v63  }
0x17a: {  	s30 =	sor.u32 $0x600, s22;
	s31 =	sadd.s32 $0x150, s12  }
0x17b: {  	[hbm4b:s31+s3] =	stream.linear.scatter [tilespmem:s30], [sflag:$0x1], $0x80, $0x38;
	[tilespmem:$0xC00] =	vst v63  }
0x17c: {  	s25 =	sor.u32 $0x700, s22;
	s26 =	sadd.s32 $0x1D0, s12  }
0x17d: {  	[hbm4b:s26+s3] =	stream.linear.scatter [tilespmem:s25], [sflag:$0x1], $0x80, $0x38;
	[tilespmem:$0xC00] =	vst v63  }
0x17e: {  	s28 =	sor.u32 $0x800, s22;
	s29 =	sadd.s32 $0x250, s12  }
0x17f: {  	[hbm4b:s29+s3] =	stream.linear.scatter [tilespmem:s28], [sflag:$0x1], $0x80, $0x38;
	[tilespmem:$0xC00] =	vst v63  }
0x180: {  	s30 =	sor.u32 $0x900, s22;
	s31 =	sadd.s32 $0x2D0, s12  }
0x181: {  	[hbm4b:s31+s3] =	stream.linear.scatter [tilespmem:s30], [sflag:$0x1], $0x80, $0x38;
	[tilespmem:$0xC00] =	vst v63  }
0x182: {  	s24 =	sor.u32 $0xA00, s22;
	s25 =	sadd.s32 $0x350, s12  }
0x183: {  	[hbm4b:s25+s3] =	stream.linear.scatter [tilespmem:s24], [sflag:$0x1], $0x80, $0x38;
	[tilespmem:$0xC00] =	vst v63  }
0x184: {  	s22 =	sor.u32 $0xB00, s22;
	s26 =	sadd.s32 $0x3D0, s12  }
0x185: {  	[hbm4b:s26+s3] =	stream.linear.scatter [tilespmem:s22], [sflag:$0x1], $0x80, $0x38;
	[tilespmem:$0xC00] =	vst v63  }
0x186: {  	s28 =	sadd.s32 $0x60, s12;
	s29 =	sor.u32 $0x400, s21  }
0x187: {  	[hbm4b:s28+s3] =	stream.linear.scatter [tilespmem:s29], [sflag:$0x1], $0x80, $0x38;
	[tilespmem:$0xC00] =	vst v63  }
0x188: {  	s30 =	sor.u32 $0x500, s21;
	s31 =	sadd.s32 $0xE0, s12  }
0x189: {  	[hbm4b:s31+s3] =	stream.linear.scatter [tilespmem:s30], [sflag:$0x1], $0x80, $0x38;
	[tilespmem:$0xC00] =	vst v63  }
0x18a: {  	s23 =	sor.u32 $0x600, s21;
	s24 =	sadd.s32 $0x160, s12  }
0x18b: {  	[hbm4b:s24+s3] =	stream.linear.scatter [tilespmem:s23], [sflag:$0x1], $0x80, $0x38;
	[tilespmem:$0xC00] =	vst v63  }
0x18c: {  	s25 =	sor.u32 $0x700, s21;
	s26 =	sadd.s32 $0x1E0, s12  }
0x18d: {  	[hbm4b:s26+s3] =	stream.linear.scatter [tilespmem:s25], [sflag:$0x1], $0x80, $0x38;
	[tilespmem:$0xC00] =	vst v63  }
0x18e: {  	s28 =	sor.u32 $0x800, s21;
	s29 =	sadd.s32 $0x260, s12  }
0x18f: {  	[hbm4b:s29+s3] =	stream.linear.scatter [tilespmem:s28], [sflag:$0x1], $0x80, $0x38;
	[tilespmem:$0xC00] =	vst v63  }
0x190: {  	s30 =	sor.u32 $0x900, s21;
	s31 =	sadd.s32 $0x2E0, s12  }
0x191: {  	[hbm4b:s31+s3] =	stream.linear.scatter [tilespmem:s30], [sflag:$0x1], $0x80, $0x38;
	[tilespmem:$0xC00] =	vst v63  }
0x192: {  	s24 =	sor.u32 $0xA00, s21;
	s25 =	sadd.s32 $0x360, s12  }
0x193: {  	[hbm4b:s25+s3] =	stream.linear.scatter [tilespmem:s24], [sflag:$0x1], $0x80, $0x38;
	[tilespmem:$0xC00] =	vst v63  }
0x194: {  	s21 =	sor.u32 $0xB00, s21;
	s26 =	sadd.s32 $0x3E0, s12  }
0x195: {  	[hbm4b:s26+s3] =	stream.linear.scatter [tilespmem:s21], [sflag:$0x1], $0x80, $0x38;
	[tilespmem:$0xC00] =	vst v63  }
0x196: {  	s28 =	sadd.s32 $0x70, s12;
	s29 =	sor.u32 $0x400, s20  }
0x197: {  	[hbm4b:s28+s3] =	stream.linear.scatter [tilespmem:s29], [sflag:$0x1], $0x80, $0x38;
	[tilespmem:$0xC00] =	vst v63  }
0x198: {  	s30 =	sor.u32 $0x500, s20;
	s31 =	sadd.s32 $0xF0, s12  }
0x199: {  	[hbm4b:s31+s3] =	stream.linear.scatter [tilespmem:s30], [sflag:$0x1], $0x80, $0x38;
	[tilespmem:$0xC00] =	vst v63  }
0x19a: {  	s23 =	sor.u32 $0x600, s20;
	s24 =	sadd.s32 $0x170, s12  }
0x19b: {  	[hbm4b:s24+s3] =	stream.linear.scatter [tilespmem:s23], [sflag:$0x1], $0x80, $0x38;
	[tilespmem:$0xC00] =	vst v63  }
0x19c: {  	s25 =	sor.u32 $0x700, s20;
	s26 =	sadd.s32 $0x1F0, s12  }
0x19d: {  	[hbm4b:s26+s3] =	stream.linear.scatter [tilespmem:s25], [sflag:$0x1], $0x80, $0x38;
	[tilespmem:$0xC00] =	vst v63  }
0x19e: {  	s28 =	sor.u32 $0x800, s20;
	s29 =	sadd.s32 $0x270, s12  }
0x19f: {  	[hbm4b:s29+s3] =	stream.linear.scatter [tilespmem:s28], [sflag:$0x1], $0x80, $0x38;
	[tilespmem:$0xC00] =	vst v63  }
0x1a0: {  	s30 =	sor.u32 $0x900, s20;
	s31 =	sadd.s32 $0x2F0, s12  }
0x1a1: {  	[hbm4b:s31+s3] =	stream.linear.scatter [tilespmem:s30], [sflag:$0x1], $0x80, $0x38;
	[tilespmem:$0xC00] =	vst v63  }
0x1a2: {  	s22 =	sor.u32 $0xA00, s20;
	s23 =	sadd.s32 $0x370, s12  }
0x1a3: {  	[hbm4b:s23+s3] =	stream.linear.scatter [tilespmem:s22], [sflag:$0x1], $0x80, $0x38;
	[tilespmem:$0xC00] =	vst v63  }
0x1a4: {  	s22 =	simm.s32 $0x80  }
0x1a5: {  	s20 =	sor.u32 $0xB00, s20;
	s24 =	sadd.s32 $0x3F0, s12;
	s22 =	simm.s32 @!p1 $0x0  }
0x1a6: {  	[hbm4b:s24+s3] =	stream.linear.scatter [tilespmem:s20], [sflag:$0x1], $0x80, $0x38;
	[tilespmem:$0xC00] =	vst v63  }
0x1a7: {  	s25 =	sadd.s32 $0x400, s12;
	s26 =	sor.u32 $0x400, s22  }
0x1a8: {  	[hbm4b:s25+s3] =	stream.linear.scatter [tilespmem:s26], [sflag:$0x1], $0x80, $0x38;
	[tilespmem:$0xC00] =	vst v63  }
0x1a9: {  	s29 =	sadd.s32 $0x480, s12;
	s28 =	sor.u32 $0x500, s22  }
0x1aa: {  	[hbm4b:s29+s3] =	stream.linear.scatter [tilespmem:s28], [sflag:$0x1], $0x80, $0x38;
	[tilespmem:$0xC00] =	vst v63  }
0x1ab: {  	s31 =	sadd.s32 $0x500, s12;
	s30 =	sor.u32 $0x600, s22  }
0x1ac: {  	[hbm4b:s31+s3] =	stream.linear.scatter [tilespmem:s30], [sflag:$0x1], $0x80, $0x38;
	[tilespmem:$0xC00] =	vst v63  }
0x1ad: {  	s23 =	sor.u32 $0x700, s22;
	s24 =	sadd.s32 $0x580, s12  }
0x1ae: {  	[hbm4b:s24+s3] =	stream.linear.scatter [tilespmem:s23], [sflag:$0x1], $0x80, $0x38;
	[tilespmem:$0xC00] =	vst v63  }
0x1af: {  	s25 =	sor.u32 $0x800, s22;
	s26 =	sadd.s32 $0x600, s12  }
0x1b0: {  	[hbm4b:s26+s3] =	stream.linear.scatter [tilespmem:s25], [sflag:$0x1], $0x80, $0x38;
	[tilespmem:$0xC00] =	vst v63  }
0x1b1: {  	s28 =	sor.u32 $0x900, s22;
	s29 =	sadd.s32 $0x680, s12  }
0x1b2: {  	[hbm4b:s29+s3] =	stream.linear.scatter [tilespmem:s28], [sflag:$0x1], $0x80, $0x38;
	[tilespmem:$0xC00] =	vst v63  }
0x1b3: {  	s30 =	sor.u32 $0xA00, s22;
	s31 =	sadd.s32 $0x700, s12  }
0x1b4: {  	[hbm4b:s31+s3] =	stream.linear.scatter [tilespmem:s30], [sflag:$0x1], $0x80, $0x38;
	[tilespmem:$0xC00] =	vst v63  }
0x1b5: {  	s21 =	sor.u32 $0xB00, s22;
	s22 =	sadd.s32 $0x780, s12  }
0x1b6: {  	[hbm4b:s22+s3] =	stream.linear.scatter [tilespmem:s21], [sflag:$0x1], $0x80, $0x38;
	[tilespmem:$0xC00] =	vst v63  }
0x1b7: {  	s23 =	sadd.s32 $0x410, s12;
	s24 =	sor.u32 $0x400, s19  }
0x1b8: {  	[hbm4b:s23+s3] =	stream.linear.scatter [tilespmem:s24], [sflag:$0x1], $0x80, $0x38;
	[tilespmem:$0xC00] =	vst v63  }
0x1b9: {  	s25 =	sor.u32 $0x500, s19;
	s26 =	sadd.s32 $0x490, s12  }
0x1ba: {  	[hbm4b:s26+s3] =	stream.linear.scatter [tilespmem:s25], [sflag:$0x1], $0x80, $0x38;
	[tilespmem:$0xC00] =	vst v63  }
0x1bb: {  	s28 =	sor.u32 $0x600, s19;
	s29 =	sadd.s32 $0x510, s12  }
0x1bc: {  	[hbm4b:s29+s3] =	stream.linear.scatter [tilespmem:s28], [sflag:$0x1], $0x80, $0x38;
	[tilespmem:$0xC00] =	vst v63  }
0x1bd: {  	s30 =	sor.u32 $0x700, s19;
	s31 =	sadd.s32 $0x590, s12  }
0x1be: {  	[hbm4b:s31+s3] =	stream.linear.scatter [tilespmem:s30], [sflag:$0x1], $0x80, $0x38;
	[tilespmem:$0xC00] =	vst v63  }
0x1bf: {  	s22 =	sor.u32 $0x800, s19;
	s23 =	sadd.s32 $0x610, s12  }
0x1c0: {  	[hbm4b:s23+s3] =	stream.linear.scatter [tilespmem:s22], [sflag:$0x1], $0x80, $0x38;
	[tilespmem:$0xC00] =	vst v63  }
0x1c1: {  	s24 =	sor.u32 $0x900, s19;
	s25 =	sadd.s32 $0x690, s12  }
0x1c2: {  	[hbm4b:s25+s3] =	stream.linear.scatter [tilespmem:s24], [sflag:$0x1], $0x80, $0x38;
	[tilespmem:$0xC00] =	vst v63  }
0x1c3: {  	s26 =	sor.u32 $0xA00, s19;
	s28 =	sadd.s32 $0x710, s12  }
0x1c4: {  	[hbm4b:s28+s3] =	stream.linear.scatter [tilespmem:s26], [sflag:$0x1], $0x80, $0x38;
	[tilespmem:$0xC00] =	vst v63  }
0x1c5: {  	s19 =	sor.u32 $0xB00, s19;
	s29 =	sadd.s32 $0x790, s12  }
0x1c6: {  	[hbm4b:s29+s3] =	stream.linear.scatter [tilespmem:s19], [sflag:$0x1], $0x80, $0x38;
	[tilespmem:$0xC00] =	vst v63  }
0x1c7: {  	s30 =	sadd.s32 $0x420, s12;
	s31 =	sor.u32 $0x400, s18  }
0x1c8: {  	[hbm4b:s30+s3] =	stream.linear.scatter [tilespmem:s31], [sflag:$0x1], $0x80, $0x38;
	[tilespmem:$0xC00] =	vst v63  }
0x1c9: {  	s21 =	sor.u32 $0x500, s18;
	s22 =	sadd.s32 $0x4A0, s12  }
0x1ca: {  	[hbm4b:s22+s3] =	stream.linear.scatter [tilespmem:s21], [sflag:$0x1], $0x80, $0x38;
	[tilespmem:$0xC00] =	vst v63  }
0x1cb: {  	s23 =	sor.u32 $0x600, s18;
	s24 =	sadd.s32 $0x520, s12  }
0x1cc: {  	[hbm4b:s24+s3] =	stream.linear.scatter [tilespmem:s23], [sflag:$0x1], $0x80, $0x38;
	[tilespmem:$0xC00] =	vst v63  }
0x1cd: {  	s25 =	sor.u32 $0x700, s18;
	s26 =	sadd.s32 $0x5A0, s12  }
0x1ce: {  	[hbm4b:s26+s3] =	stream.linear.scatter [tilespmem:s25], [sflag:$0x1], $0x80, $0x38;
	[tilespmem:$0xC00] =	vst v63  }
0x1cf: {  	s28 =	sor.u32 $0x800, s18;
	s29 =	sadd.s32 $0x620, s12  }
0x1d0: {  	[hbm4b:s29+s3] =	stream.linear.scatter [tilespmem:s28], [sflag:$0x1], $0x80, $0x38;
	[tilespmem:$0xC00] =	vst v63  }
0x1d1: {  	s30 =	sor.u32 $0x900, s18;
	s31 =	sadd.s32 $0x6A0, s12  }
0x1d2: {  	[hbm4b:s31+s3] =	stream.linear.scatter [tilespmem:s30], [sflag:$0x1], $0x80, $0x38;
	[tilespmem:$0xC00] =	vst v63  }
0x1d3: {  	s20 =	sor.u32 $0xA00, s18;
	s21 =	sadd.s32 $0x720, s12  }
0x1d4: {  	[hbm4b:s21+s3] =	stream.linear.scatter [tilespmem:s20], [sflag:$0x1], $0x80, $0x38;
	[tilespmem:$0xC00] =	vst v63  }
0x1d5: {  	s18 =	sor.u32 $0xB00, s18;
	s22 =	sadd.s32 $0x7A0, s12  }
0x1d6: {  	[hbm4b:s22+s3] =	stream.linear.scatter [tilespmem:s18], [sflag:$0x1], $0x80, $0x38;
	[tilespmem:$0xC00] =	vst v63  }
0x1d7: {  	s23 =	sadd.s32 $0x430, s12;
	s24 =	sor.u32 $0x400, s17  }
0x1d8: {  	[hbm4b:s23+s3] =	stream.linear.scatter [tilespmem:s24], [sflag:$0x1], $0x80, $0x38;
	[tilespmem:$0xC00] =	vst v63  }
0x1d9: {  	s25 =	sor.u32 $0x500, s17;
	s26 =	sadd.s32 $0x4B0, s12  }
0x1da: {  	[hbm4b:s26+s3] =	stream.linear.scatter [tilespmem:s25], [sflag:$0x1], $0x80, $0x38;
	[tilespmem:$0xC00] =	vst v63  }
0x1db: {  	s28 =	sor.u32 $0x600, s17;
	s29 =	sadd.s32 $0x530, s12  }
0x1dc: {  	[hbm4b:s29+s3] =	stream.linear.scatter [tilespmem:s28], [sflag:$0x1], $0x80, $0x38;
	[tilespmem:$0xC00] =	vst v63  }
0x1dd: {  	s30 =	sor.u32 $0x700, s17;
	s31 =	sadd.s32 $0x5B0, s12  }
0x1de: {  	[hbm4b:s31+s3] =	stream.linear.scatter [tilespmem:s30], [sflag:$0x1], $0x80, $0x38;
	[tilespmem:$0xC00] =	vst v63  }
0x1df: {  	s20 =	sor.u32 $0x800, s17;
	s21 =	sadd.s32 $0x630, s12  }
0x1e0: {  	[hbm4b:s21+s3] =	stream.linear.scatter [tilespmem:s20], [sflag:$0x1], $0x80, $0x38;
	[tilespmem:$0xC00] =	vst v63  }
0x1e1: {  	s22 =	sor.u32 $0x900, s17;
	s23 =	sadd.s32 $0x6B0, s12  }
0x1e2: {  	[hbm4b:s23+s3] =	stream.linear.scatter [tilespmem:s22], [sflag:$0x1], $0x80, $0x38;
	[tilespmem:$0xC00] =	vst v63  }
0x1e3: {  	s24 =	sor.u32 $0xA00, s17;
	s25 =	sadd.s32 $0x730, s12  }
0x1e4: {  	[hbm4b:s25+s3] =	stream.linear.scatter [tilespmem:s24], [sflag:$0x1], $0x80, $0x38;
	[tilespmem:$0xC00] =	vst v63  }
0x1e5: {  	s17 =	sor.u32 $0xB00, s17;
	s26 =	sadd.s32 $0x7B0, s12  }
0x1e6: {  	[hbm4b:s26+s3] =	stream.linear.scatter [tilespmem:s17], [sflag:$0x1], $0x80, $0x38;
	[tilespmem:$0xC00] =	vst v63  }
0x1e7: {  	s28 =	sadd.s32 $0x440, s12;
	s29 =	sor.u32 $0x400, s16  }
0x1e8: {  	[hbm4b:s28+s3] =	stream.linear.scatter [tilespmem:s29], [sflag:$0x1], $0x80, $0x38;
	[tilespmem:$0xC00] =	vst v63  }
0x1e9: {  	s30 =	sor.u32 $0x500, s16;
	s31 =	sadd.s32 $0x4C0, s12  }
0x1ea: {  	[hbm4b:s31+s3] =	stream.linear.scatter [tilespmem:s30], [sflag:$0x1], $0x80, $0x38;
	[tilespmem:$0xC00] =	vst v63  }
0x1eb: {  	s19 =	sadd.s32 $0x540, s12;
	s18 =	sor.u32 $0x600, s16  }
0x1ec: {  	[hbm4b:s19+s3] =	stream.linear.scatter [tilespmem:s18], [sflag:$0x1], $0x80, $0x38;
	[tilespmem:$0xC00] =	vst v63  }
0x1ed: {  	s20 =	sor.u32 $0x700, s16;
	s21 =	sadd.s32 $0x5C0, s12  }
0x1ee: {  	[hbm4b:s21+s3] =	stream.linear.scatter [tilespmem:s20], [sflag:$0x1], $0x80, $0x38;
	[tilespmem:$0xC00] =	vst v63  }
0x1ef: {  	s22 =	sor.u32 $0x800, s16;
	s23 =	sadd.s32 $0x640, s12  }
0x1f0: {  	[hbm4b:s23+s3] =	stream.linear.scatter [tilespmem:s22], [sflag:$0x1], $0x80, $0x38;
	[tilespmem:$0xC00] =	vst v63  }
0x1f1: {  	s24 =	sor.u32 $0x900, s16;
	s25 =	sadd.s32 $0x6C0, s12  }
0x1f2: {  	[hbm4b:s25+s3] =	stream.linear.scatter [tilespmem:s24], [sflag:$0x1], $0x80, $0x38;
	[tilespmem:$0xC00] =	vst v63  }
0x1f3: {  	s26 =	sor.u32 $0xA00, s16;
	s28 =	sadd.s32 $0x740, s12  }
0x1f4: {  	[hbm4b:s28+s3] =	stream.linear.scatter [tilespmem:s26], [sflag:$0x1], $0x80, $0x38;
	[tilespmem:$0xC00] =	vst v63  }
0x1f5: {  	s16 =	sor.u32 $0xB00, s16;
	s29 =	sadd.s32 $0x7C0, s12  }
0x1f6: {  	[hbm4b:s29+s3] =	stream.linear.scatter [tilespmem:s16], [sflag:$0x1], $0x80, $0x38;
	[tilespmem:$0xC00] =	vst v63  }
0x1f7: {  	s30 =	sadd.s32 $0x450, s12;
	s31 =	sor.u32 $0x400, s15  }
0x1f8: {  	[hbm4b:s30+s3] =	stream.linear.scatter [tilespmem:s31], [sflag:$0x1], $0x80, $0x38;
	[tilespmem:$0xC00] =	vst v63  }
0x1f9: {  	s18 =	sor.u32 $0x500, s15;
	s19 =	sadd.s32 $0x4D0, s12  }
0x1fa: {  	[hbm4b:s19+s3] =	stream.linear.scatter [tilespmem:s18], [sflag:$0x1], $0x80, $0x38;
	[tilespmem:$0xC00] =	vst v63  }
0x1fb: {  	s20 =	sor.u32 $0x600, s15;
	s21 =	sadd.s32 $0x550, s12  }
0x1fc: {  	[hbm4b:s21+s3] =	stream.linear.scatter [tilespmem:s20], [sflag:$0x1], $0x80, $0x38;
	[tilespmem:$0xC00] =	vst v63  }
0x1fd: {  	s22 =	sor.u32 $0x700, s15;
	s23 =	sadd.s32 $0x5D0, s12  }
0x1fe: {  	[hbm4b:s23+s3] =	stream.linear.scatter [tilespmem:s22], [sflag:$0x1], $0x80, $0x38;
	[tilespmem:$0xC00] =	vst v63  }
0x1ff: {  	s24 =	sor.u32 $0x800, s15;
	s25 =	sadd.s32 $0x650, s12  }
0x200: {  	[hbm4b:s25+s3] =	stream.linear.scatter [tilespmem:s24], [sflag:$0x1], $0x80, $0x38;
	[tilespmem:$0xC00] =	vst v63  }
0x201: {  	s26 =	sor.u32 $0x900, s15;
	s28 =	sadd.s32 $0x6D0, s12  }
0x202: {  	[hbm4b:s28+s3] =	stream.linear.scatter [tilespmem:s26], [sflag:$0x1], $0x80, $0x38;
	[tilespmem:$0xC00] =	vst v63  }
0x203: {  	s29 =	sor.u32 $0xA00, s15;
	s30 =	sadd.s32 $0x750, s12  }
0x204: {  	[hbm4b:s30+s3] =	stream.linear.scatter [tilespmem:s29], [sflag:$0x1], $0x80, $0x38;
	[tilespmem:$0xC00] =	vst v63  }
0x205: {  	s15 =	sor.u32 $0xB00, s15;
	s31 =	sadd.s32 $0x7D0, s12  }
0x206: {  	[hbm4b:s31+s3] =	stream.linear.scatter [tilespmem:s15], [sflag:$0x1], $0x80, $0x38;
	[tilespmem:$0xC00] =	vst v63  }
0x207: {  	s17 =	sadd.s32 $0x460, s12;
	s18 =	sor.u32 $0x400, s14  }
0x208: {  	[hbm4b:s17+s3] =	stream.linear.scatter [tilespmem:s18], [sflag:$0x1], $0x80, $0x38;
	[tilespmem:$0xC00] =	vst v63  }
0x209: {  	s19 =	sor.u32 $0x500, s14;
	s20 =	sadd.s32 $0x4E0, s12  }
0x20a: {  	[hbm4b:s20+s3] =	stream.linear.scatter [tilespmem:s19], [sflag:$0x1], $0x80, $0x38;
	[tilespmem:$0xC00] =	vst v63  }
0x20b: {  	s21 =	sor.u32 $0x600, s14;
	s22 =	sadd.s32 $0x560, s12  }
0x20c: {  	[hbm4b:s22+s3] =	stream.linear.scatter [tilespmem:s21], [sflag:$0x1], $0x80, $0x38;
	[tilespmem:$0xC00] =	vst v63  }
0x20d: {  	s23 =	sor.u32 $0x700, s14;
	s24 =	sadd.s32 $0x5E0, s12  }
0x20e: {  	[hbm4b:s24+s3] =	stream.linear.scatter [tilespmem:s23], [sflag:$0x1], $0x80, $0x38;
	[tilespmem:$0xC00] =	vst v63  }
0x20f: {  	s25 =	sor.u32 $0x800, s14;
	s26 =	sadd.s32 $0x660, s12  }
0x210: {  	[hbm4b:s26+s3] =	stream.linear.scatter [tilespmem:s25], [sflag:$0x1], $0x80, $0x38;
	[tilespmem:$0xC00] =	vst v63  }
0x211: {  	s28 =	sor.u32 $0x900, s14;
	s29 =	sadd.s32 $0x6E0, s12  }
0x212: {  	[hbm4b:s29+s3] =	stream.linear.scatter [tilespmem:s28], [sflag:$0x1], $0x80, $0x38;
	[tilespmem:$0xC00] =	vst v63  }
0x213: {  	s13 =	simm.s32 $0x80;
	s30 =	sor.u32 $0xA00, s14;
	s31 =	sadd.s32 $0x760, s12  }
0x214: {  	[hbm4b:s31+s3] =	stream.linear.scatter [tilespmem:s30], [sflag:$0x1], $0x80, $0x38;
	[tilespmem:$0xC00] =	vst v63  }
0x215: {  	s13 =	simm.s32 @!p2 $0x0;
	s16 =	sadd.s32 $0x7E0, s12;
	s14 =	sor.u32 $0xB00, s14  }
0x216: {  	[hbm4b:s16+s3] =	stream.linear.scatter [tilespmem:s14], [sflag:$0x1], $0x80, $0x38;
	[tilespmem:$0xC00] =	vst v63  }
0x217: {  	s17 =	sadd.s32 $0x470, s12;
	s18 =	sor.u32 $0x400, s13  }
0x218: {  	[hbm4b:s17+s3] =	stream.linear.scatter [tilespmem:s18], [sflag:$0x1], $0x80, $0x38;
	[tilespmem:$0xC00] =	vst v63  }
0x219: {  	s19 =	sor.u32 $0x500, s13;
	s20 =	sadd.s32 $0x4F0, s12  }
0x21a: {  	[hbm4b:s20+s3] =	stream.linear.scatter [tilespmem:s19], [sflag:$0x1], $0x80, $0x38;
	[tilespmem:$0xC00] =	vst v63  }
0x21b: {  	s21 =	sor.u32 $0x600, s13;
	s22 =	sadd.s32 $0x570, s12  }
0x21c: {  	[hbm4b:s22+s3] =	stream.linear.scatter [tilespmem:s21], [sflag:$0x1], $0x80, $0x38;
	[tilespmem:$0xC00] =	vst v63  }
0x21d: {  	s23 =	sor.u32 $0x700, s13;
	s24 =	sadd.s32 $0x5F0, s12  }
0x21e: {  	[hbm4b:s24+s3] =	stream.linear.scatter [tilespmem:s23], [sflag:$0x1], $0x80, $0x38;
	[tilespmem:$0xC00] =	vst v63  }
0x21f: {  	p0 =	sne.s32 s10, $0x1F800;
	s25 =	sor.u32 $0x800, s13;
	s26 =	sadd.s32 $0x670, s12  }
0x220: {  	[hbm4b:s26+s3] =	stream.linear.scatter [tilespmem:s25], [sflag:$0x1], $0x80, $0x38;
	[tilespmem:$0xC00] =	vst v63  }
.Ltmp0:
0x221: {  	s10 =	sadd.s32 $0x800, s10;
	s11 =	sadd.s32 $0x10, s11;
	(pc) =	sbr.rel @p0 .LBB2_2-.Ltmp0, $4  }
0x222: {  	s28 =	sor.u32 $0x900, s13;
	s29 =	sadd.s32 $0x6F0, s12;
	s30 =	sor.u32 $0xA00, s13  }
0x223: {  	[hbm4b:s29+s3] =	stream.linear.scatter [tilespmem:s28], [sflag:$0x1], $0x80, $0x38;
	[tilespmem:$0xC00] =	vst v63  }
0x224: {  	s31 =	sadd.s32 $0x770, s12;
	s13 =	sor.u32 $0xB00, s13;
	s12 =	sadd.s32 $0x7F0, s12  }
0x225: {  	[hbm4b:s31+s3] =	stream.linear.scatter [tilespmem:s30], [sflag:$0x1], $0x80, $0x38;
	[tilespmem:$0xC00] =	vst v63  }
0x226: {  	s9 =	sadd.s32 $0x1, s9  }
0x227: {  	p0 =	sne.s32 s9, s5  }
.Ltmp1:
0x228: {  	_ = 	snop;
	(pc) =	sbr.rel @p0 .LBB2_1-.Ltmp1, $4  }
0x229: {  	[hbm4b:s12+s3] =	stream.linear.scatter [tilespmem:s13], [sflag:$0x1], $0x80, $0x38;
	[tilespmem:$0xC00] =	vst v63  }
0x22a: {  	_ =	swait.ge [sflag:s8], $0x20000  }
0x22b: {  	[sflag:s8] =	ssyncset.done $0x0  }
0x22c: {  	[sflag:s8] =	ssyncadd.s32 $0xFFFE0000  }
0x22d: {  	_ =	sfence.sel $0x180000  }
0x22e: {  	[bflag:$0x0] =	sbarrier.arrive $0xFFFF  }
0x22f: {  	p0 =	sne.s32 s1, $0x0;
	_ =	strace $0x90000047  }
0x230: {  	s0 =	sadd.s32 @!p0 $0x100000, s0;
	[bflag:$0x2] =	sbarrier.arrive $0xFFFF  }
0x231: {  	[sflag:s0] =	ssyncadd.tile.s32 @!p0 $0x1;
	_ =	shalt  }
.Lfunc_end2:
_tile_overlayer_lowered:
.L_overlay_start_2:
0x232: {  	(tag) =	ssettag $0x2  }
0x233: {  	s0 =	rddreg [dreg:$0x0];
	s2 =	stileid.u32  }
0x234: {  	s1 =	rddreg [dreg:$0x1];
	p0 =	sne.s32 s2, $0x0  }
0x235: {  	s3 =	rddreg [dreg:$0x2];
	[bflag:$0x3] =	sbarrier.arrive $0xFFFF;
	s2 =	simm.s32 @!p0 $0x1C02  }
0x236: {  	[timem:s3], [sflag:s2] =	dma.local @!p0 [hbm:s0], s1  }
0x237: {  	s0 =	simm.s32 @!p0 $0x2  }
0x238: {  	_ =	swait.ge @!p0 [sflag:s0], s1  }
0x239: {  	s1 =	ssub.s32 @!p0 $0x0, s1;
	[sflag:s0] =	ssyncset.done @!p0 $0x0  }
0x23a: {  	[sflag:s0] =	ssyncadd.s32 @!p0 s1  }
0x23b: {  	[bflag:$0x3] =	sbarrier.arrive $0xFFFF  }
0x23c: {  	_ =	shalt  }

</sc_bundles>
